<compile_context>
chip_gen: v7x
topology: tpu7x:2x2x1
jax: 0.10.2.dev20260603
libtpu: 0.0.44.dev20260713+nightly
codegen_flags: <defaults>
</compile_context>

<pallas_src>
import functools

import jax
import jax.numpy as jnp
from jax import lax
from jax.experimental import pallas as pl
from jax.experimental.pallas import tpu as pltpu
from jax.experimental.pallas import tpu_sc as plsc

N_NODES = 10000
N_EDGES = 320000
D = 128

NC = 2
NS = 16
NW = NC * NS

GROUP = 128
G = 80
E_PAD = NW * G * GROUP
N_ACC = 10240
N_DUMMY = N_ACC - N_NODES
PHASES = 2
GP = G // PHASES

H = 4
SUB = GROUP // H

ROWS_INIT = N_ACC // NS
ROWS_OUT = 624


def _sc_body(x_hbm, src_hbm, dst_hbm, part_hbm, src_v, dst_v, rows_v,
             acc_sh, gsem, ssem, isem):
    c = lax.axis_index("c")
    s = lax.axis_index("s")
    wid = c * NS + s

    pltpu.async_copy(src_hbm.at[wid, pl.ds(0, GP)], src_v, isem)
    pltpu.async_copy(dst_hbm.at[wid, pl.ds(0, GP)], dst_v, isem)

    zeros16 = jnp.zeros((16,), jnp.float32)

    def zrow(r, _):
        def zcol(k, _):
            rows_v[0, r, pl.ds(k * 16, 16)] = zeros16
            return 0
        return lax.fori_loop(0, D // 16, zcol, 0)

    lax.fori_loop(0, GROUP, zrow, 0)

    base = s * ROWS_INIT
    for j in range(ROWS_INIT // GROUP):
        pltpu.async_copy(rows_v.at[0],
                         acc_sh.at[pl.ds(base + j * GROUP, GROUP)], isem)
    for j in range(ROWS_INIT // GROUP):
        pltpu.make_async_copy(rows_v.at[0],
                              acc_sh.at[pl.ds(base, GROUP)], isem).wait()

    pltpu.make_async_copy(src_hbm.at[0, pl.ds(0, GP)], src_v, isem).wait()
    pltpu.make_async_copy(src_hbm.at[0, pl.ds(0, GP)], dst_v, isem).wait()

    plsc.subcore_barrier()

    def gather_group(j, buf):
        for h in range(H):
            pltpu.async_copy(x_hbm.at[src_v.at[j, pl.ds(h * SUB, SUB)]],
                             rows_v.at[buf, pl.ds(h * SUB, SUB)], gsem)

    def gather_wait():
        for _ in range(H):
            pltpu.make_async_copy(x_hbm.at[pl.ds(0, SUB)],
                                  rows_v.at[0, pl.ds(0, SUB)], gsem).wait()

    def scatter_wait():
        pltpu.make_async_copy(x_hbm.at[pl.ds(0, GROUP)], rows_v.at[0],
                              ssem).wait()

    def run_phase():
        gather_group(0, 0)

        def edge_body(j, _):
            cur = lax.rem(j, 2)
            nxt = lax.rem(j + 1, 2)
            gather_wait()

            @pl.when(j >= 1)
            def _():
                scatter_wait()

            @pl.when(j + 1 < GP)
            def _():
                gather_group(j + 1, nxt)

            pltpu.async_copy(rows_v.at[cur], acc_sh.at[dst_v.at[j]], ssem,
                             add=True)
            return 0

        lax.fori_loop(0, GP, edge_body, 0)
        scatter_wait()

    run_phase()

    pltpu.sync_copy(src_hbm.at[wid, pl.ds(GP, GP)], src_v)
    pltpu.sync_copy(dst_hbm.at[wid, pl.ds(GP, GP)], dst_v)
    run_phase()

    plsc.subcore_barrier()

    ob = s * ROWS_OUT
    cnt = N_NODES - (NS - 1) * ROWS_OUT

    @pl.when(s < NS - 1)
    def _():
        pltpu.sync_copy(acc_sh.at[pl.ds(ob, ROWS_OUT)],
                        part_hbm.at[c, pl.ds(ob, ROWS_OUT)])

    @pl.when(s == NS - 1)
    def _():
        pltpu.sync_copy(acc_sh.at[pl.ds((NS - 1) * ROWS_OUT, cnt)],
                        part_hbm.at[c, pl.ds((NS - 1) * ROWS_OUT, cnt)])


@jax.jit
def _sc_scatter(x, src_r, dst_r):
    mesh = plsc.VectorSubcoreMesh(core_axis_name="c", subcore_axis_name="s",
                                  num_cores=NC, num_subcores=NS)
    return pl.kernel(
        _sc_body,
        out_type=jax.ShapeDtypeStruct((NC, N_NODES, D), jnp.float32),
        mesh=mesh,
        scratch_types=[
            pltpu.VMEM((GP, GROUP), jnp.int32),
            pltpu.VMEM((GP, GROUP), jnp.int32),
            pltpu.VMEM((2, GROUP, D), jnp.float32),
            pltpu.VMEM_SHARED((N_ACC, D), jnp.float32),
            pltpu.SemaphoreType.DMA,
            pltpu.SemaphoreType.DMA,
            pltpu.SemaphoreType.DMA,
        ],
    )(x, src_r, dst_r)


def _combine_body(scale_ref, x_ref, p_ref, o_ref):
    o_ref[...] = scale_ref[0, 0] * x_ref[...] + p_ref[0] + p_ref[1]


@jax.jit
def _combine(scale, x, partials):
    blk = 1000
    grid = N_NODES // blk
    return pl.pallas_call(
        _combine_body,
        out_shape=jax.ShapeDtypeStruct((N_NODES, D), jnp.float32),
        grid=(grid,),
        in_specs=[
            pl.BlockSpec((1, 1), lambda i: (0, 0)),
            pl.BlockSpec((blk, D), lambda i: (i, 0)),
            pl.BlockSpec((NC, blk, D), lambda i: (0, i, 0)),
        ],
        out_specs=pl.BlockSpec((blk, D), lambda i: (i, 0)),
    )(scale, x, partials)


def kernel(x, edge_index, eps):
    src = edge_index[0]
    dst = edge_index[1]
    pad = E_PAD - N_EDGES
    pad_src = (jnp.arange(pad, dtype=jnp.int32) * 89) % N_NODES
    pad_dst = N_NODES + (jnp.arange(pad, dtype=jnp.int32) % N_DUMMY)
    src_r = jnp.concatenate([src, pad_src]).reshape(NW, G, GROUP)
    dst_r = jnp.concatenate([dst, pad_dst]).reshape(NW, G, GROUP)
    partials = _sc_scatter(x, src_r, dst_r)
    scale = (1.0 + eps).reshape(1, 1)
    return _combine(scale, x, partials)

# --- scband reference (transcript-rebuilt; emitter-appended) ---
"""Pipeline reference for scband-ginlayer-58368605553170 (READ-ONLY COPY).

The authoritative reference and input builder live on the scoring server;
editing this copy changes nothing except your own understanding.
"""

import jax, jax.numpy as jnp
import numpy as np

N_NODES = 10000
N_EDGES = 320000
D_FEAT = 128

def setup_inputs(seed: int = 0) -> dict:
    key = jax.random.key(seed)
    k1, k2 = jax.random.split(key)
    x = jax.random.normal(k1, (N_NODES, D_FEAT), dtype=jnp.float32)
    edge_index = jax.random.randint(k2, (2, N_EDGES), 0, N_NODES, dtype=jnp.int32)
    eps = jnp.zeros((1,), dtype=jnp.float32)  # GIN eps buffer (init_eps=0, learn_eps=False)
    return {"x": x, "edge_index": edge_index, "eps": eps}

def reference(x, edge_index, eps):
    # GINLayer forward with aggregator_type='sum', apply_func=None, activation=None, dropout=0.0
    src = edge_index[0]
    dst = edge_index[1]
    # message: copy source features; reduce: sum into destination nodes
    messages = jnp.take(x, src, axis=0)                     # gather  [E, d]
    neigh = jax.ops.segment_sum(messages, dst, num_segments=x.shape[0])  # scatter-add [N, d]
    rst = (1.0 + eps) * x + neigh
    return rst

if __name__ == "__main__":
    import jax
    _d = setup_inputs()
    print(jax.jit(kernel)(*tuple(_d.values())))

</pallas_src>

<mosaic_0001>
#map = affine_map<(d0, d1) -> (0, 0)>
#map1 = affine_map<(d0, d1) -> (0, 0, 0)>
module attributes {stable_mosaic.version = 14 : i64} {
  func.func @_sc_body(%arg0: i32, %arg1: i32, %arg2: memref<10000x128xf32, #tpu.memory_space<hbm>>, %arg3: memref<32x80x128xi32, #tpu.memory_space<hbm>>, %arg4: memref<32x80x128xi32, #tpu.memory_space<hbm>>, %arg5: memref<2x10000x128xf32, #tpu.memory_space<hbm>>, %arg6: memref<40x128xi32, #tpu.memory_space<vmem>>, %arg7: memref<40x128xi32, #tpu.memory_space<vmem>>, %arg8: memref<2x128x128xf32, #tpu.memory_space<vmem>>, %arg9: memref<10240x128xf32, #tpu.memory_space<vmem_shared>>, %arg10: memref<!tpu.dma_semaphore, #tpu.memory_space<semaphore_mem>>, %arg11: memref<!tpu.dma_semaphore, #tpu.memory_space<semaphore_mem>>, %arg12: memref<!tpu.dma_semaphore, #tpu.memory_space<semaphore_mem>>) attributes {dimension_semantics = [#tpu.dimension_semantics<core_parallel>, #tpu.dimension_semantics<subcore_parallel>], iteration_bounds = array<i64: 2, 16>, scalar_prefetch = 0 : i64, scratch_operands = 7 : i64, tpu.core_type = #tpu.core_type<sc_vector_subcore>, window_params = [{transform_indices = #map}, {transform_indices = #map1}, {transform_indices = #map1}, {transform_indices = #map1}]} {
    %mul3A = arith.constant 16 : i32
    %mul3A_0 = arith.muli %arg0, %mul3A : i32
    %add3A = arith.addi %mul3A_0, %arg1 : i32
    %dma_start3A = arith.constant 0 : i32
    %dma_start3A_1 = arith.constant 0 : i32
    %dma_start3A_2 = tpu.memref_slice %arg3[%add3A, %dma_start3A, %dma_start3A_1] : memref<32x80x128xi32, #tpu.memory_space<hbm>> -> memref<1x40x128xi32, #tpu.memory_space<hbm>>
    %dma_start3A_3 = tpu.memref_squeeze %dma_start3A_2 : memref<1x40x128xi32, #tpu.memory_space<hbm>> -> memref<40x128xi32, #tpu.memory_space<hbm>>
    %dma_start3A_4 = arith.constant 0 : i32
    %dma_start3A_5 = arith.constant 0 : i32
    %dma_start3A_6 = tpu.memref_slice %arg3[%add3A, %dma_start3A_4, %dma_start3A_5] : memref<32x80x128xi32, #tpu.memory_space<hbm>> -> memref<1x40x128xi32, #tpu.memory_space<hbm>>
    %dma_start3A_7 = tpu.memref_squeeze %dma_start3A_6 : memref<1x40x128xi32, #tpu.memory_space<hbm>> -> memref<40x128xi32, #tpu.memory_space<hbm>>
    tpu.enqueue_dma source(%dma_start3A_7 : memref<40x128xi32, #tpu.memory_space<hbm>>) target(%arg6 : memref<40x128xi32, #tpu.memory_space<vmem>>) target_semaphore(%arg12 : memref<!tpu.dma_semaphore, #tpu.memory_space<semaphore_mem>>)
    %dma_start3A_8 = arith.constant 0 : i32
    %dma_start3A_9 = arith.constant 0 : i32
    %dma_start3A_10 = tpu.memref_slice %arg4[%add3A, %dma_start3A_8, %dma_start3A_9] : memref<32x80x128xi32, #tpu.memory_space<hbm>> -> memref<1x40x128xi32, #tpu.memory_space<hbm>>
    %dma_start3A_11 = tpu.memref_squeeze %dma_start3A_10 : memref<1x40x128xi32, #tpu.memory_space<hbm>> -> memref<40x128xi32, #tpu.memory_space<hbm>>
    %dma_start3A_12 = arith.constant 0 : i32
    %dma_start3A_13 = arith.constant 0 : i32
    %dma_start3A_14 = tpu.memref_slice %arg4[%add3A, %dma_start3A_12, %dma_start3A_13] : memref<32x80x128xi32, #tpu.memory_space<hbm>> -> memref<1x40x128xi32, #tpu.memory_space<hbm>>
    %dma_start3A_15 = tpu.memref_squeeze %dma_start3A_14 : memref<1x40x128xi32, #tpu.memory_space<hbm>> -> memref<40x128xi32, #tpu.memory_space<hbm>>
    tpu.enqueue_dma source(%dma_start3A_15 : memref<40x128xi32, #tpu.memory_space<hbm>>) target(%arg7 : memref<40x128xi32, #tpu.memory_space<vmem>>) target_semaphore(%arg12 : memref<!tpu.dma_semaphore, #tpu.memory_space<semaphore_mem>>)
    %broadcast_in_dim3A = arith.constant 0.000000e+00 : f32
    %broadcast_in_dim3A_16 = vector.broadcast %broadcast_in_dim3A : f32 to vector<16xf32>
    %scan3A = arith.constant 0 : i32
    %scan3A_17 = arith.constant 0 : i32
    %scan3A_18 = arith.constant 128 : i32
    %scan3A_19 = arith.addi %scan3A_17, %scan3A_18 : i32
    %scan3A_20 = arith.constant 1 : i32
    %scan3A_21 = scf.for %scan3A_331 = %scan3A_17 to %scan3A_19 step %scan3A_20 iter_args(%scan3A_332 = %scan3A) -> (i32)  : i32 {
      %scan3A_333 = arith.constant 0 : i32
      %scan3A_334 = arith.constant 0 : i32
      %scan3A_335 = arith.constant 8 : i32
      %scan3A_336 = arith.addi %scan3A_334, %scan3A_335 : i32
      %scan3A_337 = arith.constant 1 : i32
      %scan3A_338 = scf.for %scan3A_340 = %scan3A_334 to %scan3A_336 step %scan3A_337 iter_args(%scan3A_341 = %scan3A_333) -> (i32)  : i32 {
        %mul3A_342 = arith.constant 16 : i32
        %mul3A_343 = arith.muli %scan3A_340, %mul3A_342 : i32
        %swap3A = arith.constant 0 : i32
        %swap3A_344 = arith.index_cast %swap3A : i32 to index
        %swap3A_345 = arith.index_cast %scan3A_331 : i32 to index
        %swap3A_346 = arith.index_cast %mul3A_343 : i32 to index
        %swap3A_347 = tpu.vector_load %arg8[%swap3A_344, %swap3A_345, %swap3A_346] {strides = array<i32>} : memref<2x128x128xf32, #tpu.memory_space<vmem>>, vector<1x1x16xf32>,
        %swap3A_348 = vector.shape_cast %swap3A_347 : vector<1x1x16xf32> to vector<16xf32>
        %swap3A_349 = vector.shape_cast %broadcast_in_dim3A_16 : vector<16xf32> to vector<1x1x16xf32>
        tpu.vector_store %arg8[%swap3A_344, %swap3A_345, %swap3A_346], %swap3A_349 {strides = array<i32>} : memref<2x128x128xf32, #tpu.memory_space<vmem>>, vector<1x1x16xf32>,
        %scan3A_350 = arith.constant 0 : i32
        scf.yield %scan3A_350 : i32
      }
      %scan3A_339 = arith.constant 8 : i32
      scf.yield %scan3A_338 : i32
    }
    %scan3A_22 = arith.constant 128 : i32
    %mul3A_23 = arith.constant 640 : i32
    %mul3A_24 = arith.muli %arg1, %mul3A_23 : i32
    %add3A_25 = arith.constant 0 : i32
    %add3A_26 = arith.addi %mul3A_24, %add3A_25 : i32
    %dma_start3A_27 = arith.constant 0 : i32
    %dma_start3A_28 = arith.constant 0 : i32
    %dma_start3A_29 = arith.constant 0 : i32
    %dma_start3A_30 = tpu.memref_slice %arg8[%dma_start3A_27, %dma_start3A_28, %dma_start3A_29] : memref<2x128x128xf32, #tpu.memory_space<vmem>> -> memref<1x128x128xf32, #tpu.memory_space<vmem>>
    %dma_start3A_31 = tpu.memref_squeeze %dma_start3A_30 : memref<1x128x128xf32, #tpu.memory_space<vmem>> -> memref<128x128xf32, #tpu.memory_space<vmem>>
    %dma_start3A_32 = arith.constant 0 : i32
    %dma_start3A_33 = tpu.memref_slice %arg9[%add3A_26, %dma_start3A_32] : memref<10240x128xf32, #tpu.memory_space<vmem_shared>> -> memref<128x128xf32, #tpu.memory_space<vmem_shared>>
    %dma_start3A_34 = arith.constant 0 : i32
    %dma_start3A_35 = tpu.memref_slice %arg9[%add3A_26, %dma_start3A_34] : memref<10240x128xf32, #tpu.memory_space<vmem_shared>> -> memref<128x128xf32, #tpu.memory_space<vmem_shared>>
    %dma_start3A_36 = arith.constant 0 : i32
    %dma_start3A_37 = arith.constant 0 : i32
    %dma_start3A_38 = tpu.memref_slice %arg8[%dma_start3A_27, %dma_start3A_36, %dma_start3A_37] : memref<2x128x128xf32, #tpu.memory_space<vmem>> -> memref<1x128x128xf32, #tpu.memory_space<vmem>>
    %dma_start3A_39 = tpu.memref_squeeze %dma_start3A_38 : memref<1x128x128xf32, #tpu.memory_space<vmem>> -> memref<128x128xf32, #tpu.memory_space<vmem>>
    tpu.enqueue_dma source(%dma_start3A_39 : memref<128x128xf32, #tpu.memory_space<vmem>>) target(%dma_start3A_35 : memref<128x128xf32, #tpu.memory_space<vmem_shared>>) target_semaphore(%arg12 : memref<!tpu.dma_semaphore, #tpu.memory_space<semaphore_mem>>)
    %add3A_40 = arith.constant 128 : i32
    %add3A_41 = arith.addi %mul3A_24, %add3A_40 : i32
    %dma_start3A_42 = arith.constant 0 : i32
    %dma_start3A_43 = arith.constant 0 : i32
    %dma_start3A_44 = arith.constant 0 : i32
    %dma_start3A_45 = tpu.memref_slice %arg8[%dma_start3A_42, %dma_start3A_43, %dma_start3A_44] : memref<2x128x128xf32, #tpu.memory_space<vmem>> -> memref<1x128x128xf32, #tpu.memory_space<vmem>>
    %dma_start3A_46 = tpu.memref_squeeze %dma_start3A_45 : memref<1x128x128xf32, #tpu.memory_space<vmem>> -> memref<128x128xf32, #tpu.memory_space<vmem>>
    %dma_start3A_47 = arith.constant 0 : i32
    %dma_start3A_48 = tpu.memref_slice %arg9[%add3A_41, %dma_start3A_47] : memref<10240x128xf32, #tpu.memory_space<vmem_shared>> -> memref<128x128xf32, #tpu.memory_space<vmem_shared>>
    %dma_start3A_49 = arith.constant 0 : i32
    %dma_start3A_50 = tpu.memref_slice %arg9[%add3A_41, %dma_start3A_49] : memref<10240x128xf32, #tpu.memory_space<vmem_shared>> -> memref<128x128xf32, #tpu.memory_space<vmem_shared>>
    %dma_start3A_51 = arith.constant 0 : i32
    %dma_start3A_52 = arith.constant 0 : i32
    %dma_start3A_53 = tpu.memref_slice %arg8[%dma_start3A_42, %dma_start3A_51, %dma_start3A_52] : memref<2x128x128xf32, #tpu.memory_space<vmem>> -> memref<1x128x128xf32, #tpu.memory_space<vmem>>
    %dma_start3A_54 = tpu.memref_squeeze %dma_start3A_53 : memref<1x128x128xf32, #tpu.memory_space<vmem>> -> memref<128x128xf32, #tpu.memory_space<vmem>>
    tpu.enqueue_dma source(%dma_start3A_54 : memref<128x128xf32, #tpu.memory_space<vmem>>) target(%dma_start3A_50 : memref<128x128xf32, #tpu.memory_space<vmem_shared>>) target_semaphore(%arg12 : memref<!tpu.dma_semaphore, #tpu.memory_space<semaphore_mem>>)
    %add3A_55 = arith.constant 256 : i32
    %add3A_56 = arith.addi %mul3A_24, %add3A_55 : i32
    %dma_start3A_57 = arith.constant 0 : i32
    %dma_start3A_58 = arith.constant 0 : i32
    %dma_start3A_59 = arith.constant 0 : i32
    %dma_start3A_60 = tpu.memref_slice %arg8[%dma_start3A_57, %dma_start3A_58, %dma_start3A_59] : memref<2x128x128xf32, #tpu.memory_space<vmem>> -> memref<1x128x128xf32, #tpu.memory_space<vmem>>
    %dma_start3A_61 = tpu.memref_squeeze %dma_start3A_60 : memref<1x128x128xf32, #tpu.memory_space<vmem>> -> memref<128x128xf32, #tpu.memory_space<vmem>>
    %dma_start3A_62 = arith.constant 0 : i32
    %dma_start3A_63 = tpu.memref_slice %arg9[%add3A_56, %dma_start3A_62] : memref<10240x128xf32, #tpu.memory_space<vmem_shared>> -> memref<128x128xf32, #tpu.memory_space<vmem_shared>>
    %dma_start3A_64 = arith.constant 0 : i32
    %dma_start3A_65 = tpu.memref_slice %arg9[%add3A_56, %dma_start3A_64] : memref<10240x128xf32, #tpu.memory_space<vmem_shared>> -> memref<128x128xf32, #tpu.memory_space<vmem_shared>>
    %dma_start3A_66 = arith.constant 0 : i32
    %dma_start3A_67 = arith.constant 0 : i32
    %dma_start3A_68 = tpu.memref_slice %arg8[%dma_start3A_57, %dma_start3A_66, %dma_start3A_67] : memref<2x128x128xf32, #tpu.memory_space<vmem>> -> memref<1x128x128xf32, #tpu.memory_space<vmem>>
    %dma_start3A_69 = tpu.memref_squeeze %dma_start3A_68 : memref<1x128x128xf32, #tpu.memory_space<vmem>> -> memref<128x128xf32, #tpu.memory_space<vmem>>
    tpu.enqueue_dma source(%dma_start3A_69 : memref<128x128xf32, #tpu.memory_space<vmem>>) target(%dma_start3A_65 : memref<128x128xf32, #tpu.memory_space<vmem_shared>>) target_semaphore(%arg12 : memref<!tpu.dma_semaphore, #tpu.memory_space<semaphore_mem>>)
    %add3A_70 = arith.constant 384 : i32
    %add3A_71 = arith.addi %mul3A_24, %add3A_70 : i32
    %dma_start3A_72 = arith.constant 0 : i32
    %dma_start3A_73 = arith.constant 0 : i32
    %dma_start3A_74 = arith.constant 0 : i32
    %dma_start3A_75 = tpu.memref_slice %arg8[%dma_start3A_72, %dma_start3A_73, %dma_start3A_74] : memref<2x128x128xf32, #tpu.memory_space<vmem>> -> memref<1x128x128xf32, #tpu.memory_space<vmem>>
    %dma_start3A_76 = tpu.memref_squeeze %dma_start3A_75 : memref<1x128x128xf32, #tpu.memory_space<vmem>> -> memref<128x128xf32, #tpu.memory_space<vmem>>
    %dma_start3A_77 = arith.constant 0 : i32
    %dma_start3A_78 = tpu.memref_slice %arg9[%add3A_71, %dma_start3A_77] : memref<10240x128xf32, #tpu.memory_space<vmem_shared>> -> memref<128x128xf32, #tpu.memory_space<vmem_shared>>
    %dma_start3A_79 = arith.constant 0 : i32
    %dma_start3A_80 = tpu.memref_slice %arg9[%add3A_71, %dma_start3A_79] : memref<10240x128xf32, #tpu.memory_space<vmem_shared>> -> memref<128x128xf32, #tpu.memory_space<vmem_shared>>
    %dma_start3A_81 = arith.constant 0 : i32
    %dma_start3A_82 = arith.constant 0 : i32
    %dma_start3A_83 = tpu.memref_slice %arg8[%dma_start3A_72, %dma_start3A_81, %dma_start3A_82] : memref<2x128x128xf32, #tpu.memory_space<vmem>> -> memref<1x128x128xf32, #tpu.memory_space<vmem>>
    %dma_start3A_84 = tpu.memref_squeeze %dma_start3A_83 : memref<1x128x128xf32, #tpu.memory_space<vmem>> -> memref<128x128xf32, #tpu.memory_space<vmem>>
    tpu.enqueue_dma source(%dma_start3A_84 : memref<128x128xf32, #tpu.memory_space<vmem>>) target(%dma_start3A_80 : memref<128x128xf32, #tpu.memory_space<vmem_shared>>) target_semaphore(%arg12 : memref<!tpu.dma_semaphore, #tpu.memory_space<semaphore_mem>>)
    %add3A_85 = arith.constant 512 : i32
    %add3A_86 = arith.addi %mul3A_24, %add3A_85 : i32
    %dma_start3A_87 = arith.constant 0 : i32
    %dma_start3A_88 = arith.constant 0 : i32
    %dma_start3A_89 = arith.constant 0 : i32
    %dma_start3A_90 = tpu.memref_slice %arg8[%dma_start3A_87, %dma_start3A_88, %dma_start3A_89] : memref<2x128x128xf32, #tpu.memory_space<vmem>> -> memref<1x128x128xf32, #tpu.memory_space<vmem>>
    %dma_start3A_91 = tpu.memref_squeeze %dma_start3A_90 : memref<1x128x128xf32, #tpu.memory_space<vmem>> -> memref<128x128xf32, #tpu.memory_space<vmem>>
    %dma_start3A_92 = arith.constant 0 : i32
    %dma_start3A_93 = tpu.memref_slice %arg9[%add3A_86, %dma_start3A_92] : memref<10240x128xf32, #tpu.memory_space<vmem_shared>> -> memref<128x128xf32, #tpu.memory_space<vmem_shared>>
    %dma_start3A_94 = arith.constant 0 : i32
    %dma_start3A_95 = tpu.memref_slice %arg9[%add3A_86, %dma_start3A_94] : memref<10240x128xf32, #tpu.memory_space<vmem_shared>> -> memref<128x128xf32, #tpu.memory_space<vmem_shared>>
    %dma_start3A_96 = arith.constant 0 : i32
    %dma_start3A_97 = arith.constant 0 : i32
    %dma_start3A_98 = tpu.memref_slice %arg8[%dma_start3A_87, %dma_start3A_96, %dma_start3A_97] : memref<2x128x128xf32, #tpu.memory_space<vmem>> -> memref<1x128x128xf32, #tpu.memory_space<vmem>>
    %dma_start3A_99 = tpu.memref_squeeze %dma_start3A_98 : memref<1x128x128xf32, #tpu.memory_space<vmem>> -> memref<128x128xf32, #tpu.memory_space<vmem>>
    tpu.enqueue_dma source(%dma_start3A_99 : memref<128x128xf32, #tpu.memory_space<vmem>>) target(%dma_start3A_95 : memref<128x128xf32, #tpu.memory_space<vmem_shared>>) target_semaphore(%arg12 : memref<!tpu.dma_semaphore, #tpu.memory_space<semaphore_mem>>)
    %dma_wait3A = arith.constant 0 : i32
    %dma_wait3A_100 = arith.constant 0 : i32
    %dma_wait3A_101 = arith.constant 0 : i32
    %dma_wait3A_102 = tpu.memref_slice %arg8[%dma_wait3A, %dma_wait3A_100, %dma_wait3A_101] : memref<2x128x128xf32, #tpu.memory_space<vmem>> -> memref<1x128x128xf32, #tpu.memory_space<vmem>>
    %dma_wait3A_103 = tpu.memref_squeeze %dma_wait3A_102 : memref<1x128x128xf32, #tpu.memory_space<vmem>> -> memref<128x128xf32, #tpu.memory_space<vmem>>
    %dma_wait3A_104 = arith.constant 0 : i32
    %dma_wait3A_105 = tpu.memref_slice %arg9[%mul3A_24, %dma_wait3A_104] : memref<10240x128xf32, #tpu.memory_space<vmem_shared>> -> memref<128x128xf32, #tpu.memory_space<vmem_shared>>
    %dma_wait3A_106 = arith.constant 0 : i32
    %dma_wait3A_107 = tpu.memref_slice %arg9[%mul3A_24, %dma_wait3A_106] : memref<10240x128xf32, #tpu.memory_space<vmem_shared>> -> memref<128x128xf32, #tpu.memory_space<vmem_shared>>
    %dma_wait3A_108 = arith.constant 0 : i32
    %dma_wait3A_109 = arith.constant 0 : i32
    %dma_wait3A_110 = tpu.memref_slice %arg8[%dma_wait3A, %dma_wait3A_108, %dma_wait3A_109] : memref<2x128x128xf32, #tpu.memory_space<vmem>> -> memref<1x128x128xf32, #tpu.memory_space<vmem>>
    %dma_wait3A_111 = tpu.memref_squeeze %dma_wait3A_110 : memref<1x128x128xf32, #tpu.memory_space<vmem>> -> memref<128x128xf32, #tpu.memory_space<vmem>>
    tpu.wait_dma2 semaphore(%arg12 : memref<!tpu.dma_semaphore, #tpu.memory_space<semaphore_mem>>) src(%dma_wait3A_111 : memref<128x128xf32, #tpu.memory_space<vmem>>) dst(%dma_wait3A_107 : memref<128x128xf32, #tpu.memory_space<vmem_shared>>)
    %dma_wait3A_112 = arith.constant 0 : i32
    %dma_wait3A_113 = arith.constant 0 : i32
    %dma_wait3A_114 = arith.constant 0 : i32
    %dma_wait3A_115 = tpu.memref_slice %arg8[%dma_wait3A_112, %dma_wait3A_113, %dma_wait3A_114] : memref<2x128x128xf32, #tpu.memory_space<vmem>> -> memref<1x128x128xf32, #tpu.memory_space<vmem>>
    %dma_wait3A_116 = tpu.memref_squeeze %dma_wait3A_115 : memref<1x128x128xf32, #tpu.memory_space<vmem>> -> memref<128x128xf32, #tpu.memory_space<vmem>>
    %dma_wait3A_117 = arith.constant 0 : i32
    %dma_wait3A_118 = tpu.memref_slice %arg9[%mul3A_24, %dma_wait3A_117] : memref<10240x128xf32, #tpu.memory_space<vmem_shared>> -> memref<128x128xf32, #tpu.memory_space<vmem_shared>>
    %dma_wait3A_119 = arith.constant 0 : i32
    %dma_wait3A_120 = tpu.memref_slice %arg9[%mul3A_24, %dma_wait3A_119] : memref<10240x128xf32, #tpu.memory_space<vmem_shared>> -> memref<128x128xf32, #tpu.memory_space<vmem_shared>>
    %dma_wait3A_121 = arith.constant 0 : i32
    %dma_wait3A_122 = arith.constant 0 : i32
    %dma_wait3A_123 = tpu.memref_slice %arg8[%dma_wait3A_112, %dma_wait3A_121, %dma_wait3A_122] : memref<2x128x128xf32, #tpu.memory_space<vmem>> -> memref<1x128x128xf32, #tpu.memory_space<vmem>>
    %dma_wait3A_124 = tpu.memref_squeeze %dma_wait3A_123 : memref<1x128x128xf32, #tpu.memory_space<vmem>> -> memref<128x128xf32, #tpu.memory_space<vmem>>
    tpu.wait_dma2 semaphore(%arg12 : memref<!tpu.dma_semaphore, #tpu.memory_space<semaphore_mem>>) src(%dma_wait3A_124 : memref<128x128xf32, #tpu.memory_space<vmem>>) dst(%dma_wait3A_120 : memref<128x128xf32, #tpu.memory_space<vmem_shared>>)
    %dma_wait3A_125 = arith.constant 0 : i32
    %dma_wait3A_126 = arith.constant 0 : i32
    %dma_wait3A_127 = arith.constant 0 : i32
    %dma_wait3A_128 = tpu.memref_slice %arg8[%dma_wait3A_125, %dma_wait3A_126, %dma_wait3A_127] : memref<2x128x128xf32, #tpu.memory_space<vmem>> -> memref<1x128x128xf32, #tpu.memory_space<vmem>>
    %dma_wait3A_129 = tpu.memref_squeeze %dma_wait3A_128 : memref<1x128x128xf32, #tpu.memory_space<vmem>> -> memref<128x128xf32, #tpu.memory_space<vmem>>
    %dma_wait3A_130 = arith.constant 0 : i32
    %dma_wait3A_131 = tpu.memref_slice %arg9[%mul3A_24, %dma_wait3A_130] : memref<10240x128xf32, #tpu.memory_space<vmem_shared>> -> memref<128x128xf32, #tpu.memory_space<vmem_shared>>
    %dma_wait3A_132 = arith.constant 0 : i32
    %dma_wait3A_133 = tpu.memref_slice %arg9[%mul3A_24, %dma_wait3A_132] : memref<10240x128xf32, #tpu.memory_space<vmem_shared>> -> memref<128x128xf32, #tpu.memory_space<vmem_shared>>
    %dma_wait3A_134 = arith.constant 0 : i32
    %dma_wait3A_135 = arith.constant 0 : i32
    %dma_wait3A_136 = tpu.memref_slice %arg8[%dma_wait3A_125, %dma_wait3A_134, %dma_wait3A_135] : memref<2x128x128xf32, #tpu.memory_space<vmem>> -> memref<1x128x128xf32, #tpu.memory_space<vmem>>
    %dma_wait3A_137 = tpu.memref_squeeze %dma_wait3A_136 : memref<1x128x128xf32, #tpu.memory_space<vmem>> -> memref<128x128xf32, #tpu.memory_space<vmem>>
    tpu.wait_dma2 semaphore(%arg12 : memref<!tpu.dma_semaphore, #tpu.memory_space<semaphore_mem>>) src(%dma_wait3A_137 : memref<128x128xf32, #tpu.memory_space<vmem>>) dst(%dma_wait3A_133 : memref<128x128xf32, #tpu.memory_space<vmem_shared>>)
    %dma_wait3A_138 = arith.constant 0 : i32
    %dma_wait3A_139 = arith.constant 0 : i32
    %dma_wait3A_140 = arith.constant 0 : i32
    %dma_wait3A_141 = tpu.memref_slice %arg8[%dma_wait3A_138, %dma_wait3A_139, %dma_wait3A_140] : memref<2x128x128xf32, #tpu.memory_space<vmem>> -> memref<1x128x128xf32, #tpu.memory_space<vmem>>
    %dma_wait3A_142 = tpu.memref_squeeze %dma_wait3A_141 : memref<1x128x128xf32, #tpu.memory_space<vmem>> -> memref<128x128xf32, #tpu.memory_space<vmem>>
    %dma_wait3A_143 = arith.constant 0 : i32
    %dma_wait3A_144 = tpu.memref_slice %arg9[%mul3A_24, %dma_wait3A_143] : memref<10240x128xf32, #tpu.memory_space<vmem_shared>> -> memref<128x128xf32, #tpu.memory_space<vmem_shared>>
    %dma_wait3A_145 = arith.constant 0 : i32
    %dma_wait3A_146 = tpu.memref_slice %arg9[%mul3A_24, %dma_wait3A_145] : memref<10240x128xf32, #tpu.memory_space<vmem_shared>> -> memref<128x128xf32, #tpu.memory_space<vmem_shared>>
    %dma_wait3A_147 = arith.constant 0 : i32
    %dma_wait3A_148 = arith.constant 0 : i32
    %dma_wait3A_149 = tpu.memref_slice %arg8[%dma_wait3A_138, %dma_wait3A_147, %dma_wait3A_148] : memref<2x128x128xf32, #tpu.memory_space<vmem>> -> memref<1x128x128xf32, #tpu.memory_space<vmem>>
    %dma_wait3A_150 = tpu.memref_squeeze %dma_wait3A_149 : memref<1x128x128xf32, #tpu.memory_space<vmem>> -> memref<128x128xf32, #tpu.memory_space<vmem>>
    tpu.wait_dma2 semaphore(%arg12 : memref<!tpu.dma_semaphore, #tpu.memory_space<semaphore_mem>>) src(%dma_wait3A_150 : memref<128x128xf32, #tpu.memory_space<vmem>>) dst(%dma_wait3A_146 : memref<128x128xf32, #tpu.memory_space<vmem_shared>>)
    %dma_wait3A_151 = arith.constant 0 : i32
    %dma_wait3A_152 = arith.constant 0 : i32
    %dma_wait3A_153 = arith.constant 0 : i32
    %dma_wait3A_154 = tpu.memref_slice %arg8[%dma_wait3A_151, %dma_wait3A_152, %dma_wait3A_153] : memref<2x128x128xf32, #tpu.memory_space<vmem>> -> memref<1x128x128xf32, #tpu.memory_space<vmem>>
    %dma_wait3A_155 = tpu.memref_squeeze %dma_wait3A_154 : memref<1x128x128xf32, #tpu.memory_space<vmem>> -> memref<128x128xf32, #tpu.memory_space<vmem>>
    %dma_wait3A_156 = arith.constant 0 : i32
    %dma_wait3A_157 = tpu.memref_slice %arg9[%mul3A_24, %dma_wait3A_156] : memref<10240x128xf32, #tpu.memory_space<vmem_shared>> -> memref<128x128xf32, #tpu.memory_space<vmem_shared>>
    %dma_wait3A_158 = arith.constant 0 : i32
    %dma_wait3A_159 = tpu.memref_slice %arg9[%mul3A_24, %dma_wait3A_158] : memref<10240x128xf32, #tpu.memory_space<vmem_shared>> -> memref<128x128xf32, #tpu.memory_space<vmem_shared>>
    %dma_wait3A_160 = arith.constant 0 : i32
    %dma_wait3A_161 = arith.constant 0 : i32
    %dma_wait3A_162 = tpu.memref_slice %arg8[%dma_wait3A_151, %dma_wait3A_160, %dma_wait3A_161] : memref<2x128x128xf32, #tpu.memory_space<vmem>> -> memref<1x128x128xf32, #tpu.memory_space<vmem>>
    %dma_wait3A_163 = tpu.memref_squeeze %dma_wait3A_162 : memref<1x128x128xf32, #tpu.memory_space<vmem>> -> memref<128x128xf32, #tpu.memory_space<vmem>>
    tpu.wait_dma2 semaphore(%arg12 : memref<!tpu.dma_semaphore, #tpu.memory_space<semaphore_mem>>) src(%dma_wait3A_163 : memref<128x128xf32, #tpu.memory_space<vmem>>) dst(%dma_wait3A_159 : memref<128x128xf32, #tpu.memory_space<vmem_shared>>)
    %dma_wait3A_164 = arith.constant 0 : i32
    %dma_wait3A_165 = arith.constant 0 : i32
    %dma_wait3A_166 = arith.constant 0 : i32
    %dma_wait3A_167 = tpu.memref_slice %arg3[%dma_wait3A_164, %dma_wait3A_165, %dma_wait3A_166] : memref<32x80x128xi32, #tpu.memory_space<hbm>> -> memref<1x40x128xi32, #tpu.memory_space<hbm>>
    %dma_wait3A_168 = tpu.memref_squeeze %dma_wait3A_167 : memref<1x40x128xi32, #tpu.memory_space<hbm>> -> memref<40x128xi32, #tpu.memory_space<hbm>>
    %dma_wait3A_169 = arith.constant 0 : i32
    %dma_wait3A_170 = arith.constant 0 : i32
    %dma_wait3A_171 = tpu.memref_slice %arg3[%dma_wait3A_164, %dma_wait3A_169, %dma_wait3A_170] : memref<32x80x128xi32, #tpu.memory_space<hbm>> -> memref<1x40x128xi32, #tpu.memory_space<hbm>>
    %dma_wait3A_172 = tpu.memref_squeeze %dma_wait3A_171 : memref<1x40x128xi32, #tpu.memory_space<hbm>> -> memref<40x128xi32, #tpu.memory_space<hbm>>
    tpu.wait_dma2 semaphore(%arg12 : memref<!tpu.dma_semaphore, #tpu.memory_space<semaphore_mem>>) src(%dma_wait3A_172 : memref<40x128xi32, #tpu.memory_space<hbm>>) dst(%arg6 : memref<40x128xi32, #tpu.memory_space<vmem>>)
    %dma_wait3A_173 = arith.constant 0 : i32
    %dma_wait3A_174 = arith.constant 0 : i32
    %dma_wait3A_175 = arith.constant 0 : i32
    %dma_wait3A_176 = tpu.memref_slice %arg3[%dma_wait3A_173, %dma_wait3A_174, %dma_wait3A_175] : memref<32x80x128xi32, #tpu.memory_space<hbm>> -> memref<1x40x128xi32, #tpu.memory_space<hbm>>
    %dma_wait3A_177 = tpu.memref_squeeze %dma_wait3A_176 : memref<1x40x128xi32, #tpu.memory_space<hbm>> -> memref<40x128xi32, #tpu.memory_space<hbm>>
    %dma_wait3A_178 = arith.constant 0 : i32
    %dma_wait3A_179 = arith.constant 0 : i32
    %dma_wait3A_180 = tpu.memref_slice %arg3[%dma_wait3A_173, %dma_wait3A_178, %dma_wait3A_179] : memref<32x80x128xi32, #tpu.memory_space<hbm>> -> memref<1x40x128xi32, #tpu.memory_space<hbm>>
    %dma_wait3A_181 = tpu.memref_squeeze %dma_wait3A_180 : memref<1x40x128xi32, #tpu.memory_space<hbm>> -> memref<40x128xi32, #tpu.memory_space<hbm>>
    tpu.wait_dma2 semaphore(%arg12 : memref<!tpu.dma_semaphore, #tpu.memory_space<semaphore_mem>>) src(%dma_wait3A_181 : memref<40x128xi32, #tpu.memory_space<hbm>>) dst(%arg7 : memref<40x128xi32, #tpu.memory_space<vmem>>)
    %barrier3A = arith.constant 0 : index
    tpu.barrier barrier_id(%barrier3A)
    %dma_start3A_182 = arith.constant 0 : i32
    %dma_start3A_183 = arith.constant 0 : i32
    %dma_start3A_184 = arith.constant 0 : i32
    %dma_start3A_185 = arith.constant 0 : i32
    %dma_start3A_186 = tpu.memref_slice %arg8[%dma_start3A_183, %dma_start3A_184, %dma_start3A_185] : memref<2x128x128xf32, #tpu.memory_space<vmem>> -> memref<1x32x128xf32, #tpu.memory_space<vmem>>
    %dma_start3A_187 = tpu.memref_squeeze %dma_start3A_186 : memref<1x32x128xf32, #tpu.memory_space<vmem>> -> memref<32x128xf32, #tpu.memory_space<vmem>>
    %dma_start3A_188 = arith.constant 0 : i32
    %dma_start3A_189 = tpu.memref_slice %arg6[%dma_start3A_182, %dma_start3A_188] : memref<40x128xi32, #tpu.memory_space<vmem>> -> memref<1x32xi32, #tpu.memory_space<vmem>>
    %dma_start3A_190 = tpu.memref_squeeze %dma_start3A_189 : memref<1x32xi32, #tpu.memory_space<vmem>> -> memref<32xi32, #tpu.memory_space<vmem>>
    %dma_start3A_191 = arith.constant 0 : i32
    %dma_start3A_192 = arith.constant 0 : i32
    %dma_start3A_193 = tpu.memref_slice %arg2[%dma_start3A_191, %dma_start3A_192] : memref<10000x128xf32, #tpu.memory_space<hbm>> -> memref<10000x128xf32, #tpu.memory_space<hbm>>
    tpu.enqueue_indirect_dma source(%dma_start3A_193 : memref<10000x128xf32, #tpu.memory_space<hbm>>) target(%dma_start3A_187 : memref<32x128xf32, #tpu.memory_space<vmem>>) offsets(%dma_start3A_190 : memref<32xi32, #tpu.memory_space<vmem>>) semaphore(%arg10 : memref<!tpu.dma_semaphore, #tpu.memory_space<semaphore_mem>>)
    %dma_start3A_194 = arith.constant 0 : i32
    %dma_start3A_195 = arith.constant 0 : i32
    %dma_start3A_196 = arith.constant 32 : i32
    %dma_start3A_197 = arith.constant 0 : i32
    %dma_start3A_198 = tpu.memref_slice %arg8[%dma_start3A_195, %dma_start3A_196, %dma_start3A_197] : memref<2x128x128xf32, #tpu.memory_space<vmem>> -> memref<1x32x128xf32, #tpu.memory_space<vmem>>
    %dma_start3A_199 = tpu.memref_squeeze %dma_start3A_198 : memref<1x32x128xf32, #tpu.memory_space<vmem>> -> memref<32x128xf32, #tpu.memory_space<vmem>>
    %dma_start3A_200 = arith.constant 32 : i32
    %dma_start3A_201 = tpu.memref_slice %arg6[%dma_start3A_194, %dma_start3A_200] : memref<40x128xi32, #tpu.memory_space<vmem>> -> memref<1x32xi32, #tpu.memory_space<vmem>>
    %dma_start3A_202 = tpu.memref_squeeze %dma_start3A_201 : memref<1x32xi32, #tpu.memory_space<vmem>> -> memref<32xi32, #tpu.memory_space<vmem>>
    %dma_start3A_203 = arith.constant 0 : i32
    %dma_start3A_204 = arith.constant 0 : i32
    %dma_start3A_205 = tpu.memref_slice %arg2[%dma_start3A_203, %dma_start3A_204] : memref<10000x128xf32, #tpu.memory_space<hbm>> -> memref<10000x128xf32, #tpu.memory_space<hbm>>
    tpu.enqueue_indirect_dma source(%dma_start3A_205 : memref<10000x128xf32, #tpu.memory_space<hbm>>) target(%dma_start3A_199 : memref<32x128xf32, #tpu.memory_space<vmem>>) offsets(%dma_start3A_202 : memref<32xi32, #tpu.memory_space<vmem>>) semaphore(%arg10 : memref<!tpu.dma_semaphore, #tpu.memory_space<semaphore_mem>>)
    %dma_start3A_206 = arith.constant 0 : i32
    %dma_start3A_207 = arith.constant 0 : i32
    %dma_start3A_208 = arith.constant 64 : i32
    %dma_start3A_209 = arith.constant 0 : i32
    %dma_start3A_210 = tpu.memref_slice %arg8[%dma_start3A_207, %dma_start3A_208, %dma_start3A_209] : memref<2x128x128xf32, #tpu.memory_space<vmem>> -> memref<1x32x128xf32, #tpu.memory_space<vmem>>
    %dma_start3A_211 = tpu.memref_squeeze %dma_start3A_210 : memref<1x32x128xf32, #tpu.memory_space<vmem>> -> memref<32x128xf32, #tpu.memory_space<vmem>>
    %dma_start3A_212 = arith.constant 64 : i32
    %dma_start3A_213 = tpu.memref_slice %arg6[%dma_start3A_206, %dma_start3A_212] : memref<40x128xi32, #tpu.memory_space<vmem>> -> memref<1x32xi32, #tpu.memory_space<vmem>>
    %dma_start3A_214 = tpu.memref_squeeze %dma_start3A_213 : memref<1x32xi32, #tpu.memory_space<vmem>> -> memref<32xi32, #tpu.memory_space<vmem>>
    %dma_start3A_215 = arith.constant 0 : i32
    %dma_start3A_216 = arith.constant 0 : i32
    %dma_start3A_217 = tpu.memref_slice %arg2[%dma_start3A_215, %dma_start3A_216] : memref<10000x128xf32, #tpu.memory_space<hbm>> -> memref<10000x128xf32, #tpu.memory_space<hbm>>
    tpu.enqueue_indirect_dma source(%dma_start3A_217 : memref<10000x128xf32, #tpu.memory_space<hbm>>) target(%dma_start3A_211 : memref<32x128xf32, #tpu.memory_space<vmem>>) offsets(%dma_start3A_214 : memref<32xi32, #tpu.memory_space<vmem>>) semaphore(%arg10 : memref<!tpu.dma_semaphore, #tpu.memory_space<semaphore_mem>>)
    %dma_start3A_218 = arith.constant 0 : i32
    %dma_start3A_219 = arith.constant 0 : i32
    %dma_start3A_220 = arith.constant 96 : i32
    %dma_start3A_221 = arith.constant 0 : i32
    %dma_start3A_222 = tpu.memref_slice %arg8[%dma_start3A_219, %dma_start3A_220, %dma_start3A_221] : memref<2x128x128xf32, #tpu.memory_space<vmem>> -> memref<1x32x128xf32, #tpu.memory_space<vmem>>
    %dma_start3A_223 = tpu.memref_squeeze %dma_start3A_222 : memref<1x32x128xf32, #tpu.memory_space<vmem>> -> memref<32x128xf32, #tpu.memory_space<vmem>>
    %dma_start3A_224 = arith.constant 96 : i32
    %dma_start3A_225 = tpu.memref_slice %arg6[%dma_start3A_218, %dma_start3A_224] : memref<40x128xi32, #tpu.memory_space<vmem>> -> memref<1x32xi32, #tpu.memory_space<vmem>>
    %dma_start3A_226 = tpu.memref_squeeze %dma_start3A_225 : memref<1x32xi32, #tpu.memory_space<vmem>> -> memref<32xi32, #tpu.memory_space<vmem>>
    %dma_start3A_227 = arith.constant 0 : i32
    %dma_start3A_228 = arith.constant 0 : i32
    %dma_start3A_229 = tpu.memref_slice %arg2[%dma_start3A_227, %dma_start3A_228] : memref<10000x128xf32, #tpu.memory_space<hbm>> -> memref<10000x128xf32, #tpu.memory_space<hbm>>
    tpu.enqueue_indirect_dma source(%dma_start3A_229 : memref<10000x128xf32, #tpu.memory_space<hbm>>) target(%dma_start3A_223 : memref<32x128xf32, #tpu.memory_space<vmem>>) offsets(%dma_start3A_226 : memref<32xi32, #tpu.memory_space<vmem>>) semaphore(%arg10 : memref<!tpu.dma_semaphore, #tpu.memory_space<semaphore_mem>>)
    %scan3A_230 = arith.constant 0 : i32
    %scan3A_231 = arith.constant 0 : i32
    %scan3A_232 = arith.constant 40 : i32
    %scan3A_233 = arith.addi %scan3A_231, %scan3A_232 : i32
    %scan3A_234 = arith.constant 1 : i32
    %scan3A_235 = scf.for %scan3A_331 = %scan3A_231 to %scan3A_233 step %scan3A_234 iter_args(%scan3A_332 = %scan3A_230) -> (i32)  : i32 {
      %rem3A = arith.constant 2 : i32
      %rem3A_333 = arith.remsi %scan3A_331, %rem3A : i32
      %add3A_334 = arith.constant 1 : i32
      %add3A_335 = arith.addi %scan3A_331, %add3A_334 : i32
      %rem3A_336 = arith.constant 2 : i32
      %rem3A_337 = arith.remsi %add3A_335, %rem3A_336 : i32
      %dma_wait3A_338 = arith.constant 0 : i32
      %dma_wait3A_339 = arith.constant 0 : i32
      %dma_wait3A_340 = arith.constant 0 : i32
      %dma_wait3A_341 = tpu.memref_slice %arg8[%dma_wait3A_338, %dma_wait3A_339, %dma_wait3A_340] : memref<2x128x128xf32, #tpu.memory_space<vmem>> -> memref<1x32x128xf32, #tpu.memory_space<vmem>>
      %dma_wait3A_342 = tpu.memref_squeeze %dma_wait3A_341 : memref<1x32x128xf32, #tpu.memory_space<vmem>> -> memref<32x128xf32, #tpu.memory_space<vmem>>
      %dma_wait3A_343 = arith.constant 0 : i32
      %dma_wait3A_344 = arith.constant 0 : i32
      %dma_wait3A_345 = tpu.memref_slice %arg2[%dma_wait3A_343, %dma_wait3A_344] : memref<10000x128xf32, #tpu.memory_space<hbm>> -> memref<32x128xf32, #tpu.memory_space<hbm>>
      %dma_wait3A_346 = arith.constant 0 : i32
      %dma_wait3A_347 = arith.constant 0 : i32
      %dma_wait3A_348 = tpu.memref_slice %arg8[%dma_wait3A_338, %dma_wait3A_346, %dma_wait3A_347] : memref<2x128x128xf32, #tpu.memory_space<vmem>> -> memref<1x32x128xf32, #tpu.memory_space<vmem>>
      %dma_wait3A_349 = tpu.memref_squeeze %dma_wait3A_348 : memref<1x32x128xf32, #tpu.memory_space<vmem>> -> memref<32x128xf32, #tpu.memory_space<vmem>>
      %dma_wait3A_350 = arith.constant 0 : i32
      %dma_wait3A_351 = arith.constant 0 : i32
      %dma_wait3A_352 = tpu.memref_slice %arg2[%dma_wait3A_350, %dma_wait3A_351] : memref<10000x128xf32, #tpu.memory_space<hbm>> -> memref<32x128xf32, #tpu.memory_space<hbm>>
      tpu.wait_dma2 semaphore(%arg10 : memref<!tpu.dma_semaphore, #tpu.memory_space<semaphore_mem>>) src(%dma_wait3A_352 : memref<32x128xf32, #tpu.memory_space<hbm>>) dst(%dma_wait3A_349 : memref<32x128xf32, #tpu.memory_space<vmem>>)
      %dma_wait3A_353 = arith.constant 0 : i32
      %dma_wait3A_354 = arith.constant 0 : i32
      %dma_wait3A_355 = arith.constant 0 : i32
      %dma_wait3A_356 = tpu.memref_slice %arg8[%dma_wait3A_353, %dma_wait3A_354, %dma_wait3A_355] : memref<2x128x128xf32, #tpu.memory_space<vmem>> -> memref<1x32x128xf32, #tpu.memory_space<vmem>>
      %dma_wait3A_357 = tpu.memref_squeeze %dma_wait3A_356 : memref<1x32x128xf32, #tpu.memory_space<vmem>> -> memref<32x128xf32, #tpu.memory_space<vmem>>
      %dma_wait3A_358 = arith.constant 0 : i32
      %dma_wait3A_359 = arith.constant 0 : i32
      %dma_wait3A_360 = tpu.memref_slice %arg2[%dma_wait3A_358, %dma_wait3A_359] : memref<10000x128xf32, #tpu.memory_space<hbm>> -> memref<32x128xf32, #tpu.memory_space<hbm>>
      %dma_wait3A_361 = arith.constant 0 : i32
      %dma_wait3A_362 = arith.constant 0 : i32
      %dma_wait3A_363 = tpu.memref_slice %arg8[%dma_wait3A_353, %dma_wait3A_361, %dma_wait3A_362] : memref<2x128x128xf32, #tpu.memory_space<vmem>> -> memref<1x32x128xf32, #tpu.memory_space<vmem>>
      %dma_wait3A_364 = tpu.memref_squeeze %dma_wait3A_363 : memref<1x32x128xf32, #tpu.memory_space<vmem>> -> memref<32x128xf32, #tpu.memory_space<vmem>>
      %dma_wait3A_365 = arith.constant 0 : i32
      %dma_wait3A_366 = arith.constant 0 : i32
      %dma_wait3A_367 = tpu.memref_slice %arg2[%dma_wait3A_365, %dma_wait3A_366] : memref<10000x128xf32, #tpu.memory_space<hbm>> -> memref<32x128xf32, #tpu.memory_space<hbm>>
      tpu.wait_dma2 semaphore(%arg10 : memref<!tpu.dma_semaphore, #tpu.memory_space<semaphore_mem>>) src(%dma_wait3A_367 : memref<32x128xf32, #tpu.memory_space<hbm>>) dst(%dma_wait3A_364 : memref<32x128xf32, #tpu.memory_space<vmem>>)
      %dma_wait3A_368 = arith.constant 0 : i32
      %dma_wait3A_369 = arith.constant 0 : i32
      %dma_wait3A_370 = arith.constant 0 : i32
      %dma_wait3A_371 = tpu.memref_slice %arg8[%dma_wait3A_368, %dma_wait3A_369, %dma_wait3A_370] : memref<2x128x128xf32, #tpu.memory_space<vmem>> -> memref<1x32x128xf32, #tpu.memory_space<vmem>>
      %dma_wait3A_372 = tpu.memref_squeeze %dma_wait3A_371 : memref<1x32x128xf32, #tpu.memory_space<vmem>> -> memref<32x128xf32, #tpu.memory_space<vmem>>
      %dma_wait3A_373 = arith.constant 0 : i32
      %dma_wait3A_374 = arith.constant 0 : i32
      %dma_wait3A_375 = tpu.memref_slice %arg2[%dma_wait3A_373, %dma_wait3A_374] : memref<10000x128xf32, #tpu.memory_space<hbm>> -> memref<32x128xf32, #tpu.memory_space<hbm>>
      %dma_wait3A_376 = arith.constant 0 : i32
      %dma_wait3A_377 = arith.constant 0 : i32
      %dma_wait3A_378 = tpu.memref_slice %arg8[%dma_wait3A_368, %dma_wait3A_376, %dma_wait3A_377] : memref<2x128x128xf32, #tpu.memory_space<vmem>> -> memref<1x32x128xf32, #tpu.memory_space<vmem>>
      %dma_wait3A_379 = tpu.memref_squeeze %dma_wait3A_378 : memref<1x32x128xf32, #tpu.memory_space<vmem>> -> memref<32x128xf32, #tpu.memory_space<vmem>>
      %dma_wait3A_380 = arith.constant 0 : i32
      %dma_wait3A_381 = arith.constant 0 : i32
      %dma_wait3A_382 = tpu.memref_slice %arg2[%dma_wait3A_380, %dma_wait3A_381] : memref<10000x128xf32, #tpu.memory_space<hbm>> -> memref<32x128xf32, #tpu.memory_space<hbm>>
      tpu.wait_dma2 semaphore(%arg10 : memref<!tpu.dma_semaphore, #tpu.memory_space<semaphore_mem>>) src(%dma_wait3A_382 : memref<32x128xf32, #tpu.memory_space<hbm>>) dst(%dma_wait3A_379 : memref<32x128xf32, #tpu.memory_space<vmem>>)
      %dma_wait3A_383 = arith.constant 0 : i32
      %dma_wait3A_384 = arith.constant 0 : i32
      %dma_wait3A_385 = arith.constant 0 : i32
      %dma_wait3A_386 = tpu.memref_slice %arg8[%dma_wait3A_383, %dma_wait3A_384, %dma_wait3A_385] : memref<2x128x128xf32, #tpu.memory_space<vmem>> -> memref<1x32x128xf32, #tpu.memory_space<vmem>>
      %dma_wait3A_387 = tpu.memref_squeeze %dma_wait3A_386 : memref<1x32x128xf32, #tpu.memory_space<vmem>> -> memref<32x128xf32, #tpu.memory_space<vmem>>
      %dma_wait3A_388 = arith.constant 0 : i32
      %dma_wait3A_389 = arith.constant 0 : i32
      %dma_wait3A_390 = tpu.memref_slice %arg2[%dma_wait3A_388, %dma_wait3A_389] : memref<10000x128xf32, #tpu.memory_space<hbm>> -> memref<32x128xf32, #tpu.memory_space<hbm>>
      %dma_wait3A_391 = arith.constant 0 : i32
      %dma_wait3A_392 = arith.constant 0 : i32
      %dma_wait3A_393 = tpu.memref_slice %arg8[%dma_wait3A_383, %dma_wait3A_391, %dma_wait3A_392] : memref<2x128x128xf32, #tpu.memory_space<vmem>> -> memref<1x32x128xf32, #tpu.memory_space<vmem>>
      %dma_wait3A_394 = tpu.memref_squeeze %dma_wait3A_393 : memref<1x32x128xf32, #tpu.memory_space<vmem>> -> memref<32x128xf32, #tpu.memory_space<vmem>>
      %dma_wait3A_395 = arith.constant 0 : i32
      %dma_wait3A_396 = arith.constant 0 : i32
      %dma_wait3A_397 = tpu.memref_slice %arg2[%dma_wait3A_395, %dma_wait3A_396] : memref<10000x128xf32, #tpu.memory_space<hbm>> -> memref<32x128xf32, #tpu.memory_space<hbm>>
      tpu.wait_dma2 semaphore(%arg10 : memref<!tpu.dma_semaphore, #tpu.memory_space<semaphore_mem>>) src(%dma_wait3A_397 : memref<32x128xf32, #tpu.memory_space<hbm>>) dst(%dma_wait3A_394 : memref<32x128xf32, #tpu.memory_space<vmem>>)
      %ge3A = arith.constant 1 : i32
      %ge3A_398 = arith.cmpi sge, %scan3A_331, %ge3A : i32
      %convert_element_type3A_399 = arith.extui %ge3A_398 : i1 to i32
      %cond3A_400 = arith.constant 0 : i32
      %cond3A_401 = arith.cmpi ne, %convert_element_type3A_399, %cond3A_400 : i32
      scf.if %cond3A_401 {
        %dma_wait3A_420 = arith.constant 0 : i32
        %dma_wait3A_421 = arith.constant 0 : i32
        %dma_wait3A_422 = arith.constant 0 : i32
        %dma_wait3A_423 = tpu.memref_slice %arg8[%dma_wait3A_420, %dma_wait3A_421, %dma_wait3A_422] : memref<2x128x128xf32, #tpu.memory_space<vmem>> -> memref<1x128x128xf32, #tpu.memory_space<vmem>>
        %dma_wait3A_424 = tpu.memref_squeeze %dma_wait3A_423 : memref<1x128x128xf32, #tpu.memory_space<vmem>> -> memref<128x128xf32, #tpu.memory_space<vmem>>
        %dma_wait3A_425 = arith.constant 0 : i32
        %dma_wait3A_426 = arith.constant 0 : i32
        %dma_wait3A_427 = tpu.memref_slice %arg2[%dma_wait3A_425, %dma_wait3A_426] : memref<10000x128xf32, #tpu.memory_space<hbm>> -> memref<128x128xf32, #tpu.memory_space<hbm>>
        %dma_wait3A_428 = arith.constant 0 : i32
        %dma_wait3A_429 = arith.constant 0 : i32
        %dma_wait3A_430 = tpu.memref_slice %arg8[%dma_wait3A_420, %dma_wait3A_428, %dma_wait3A_429] : memref<2x128x128xf32, #tpu.memory_space<vmem>> -> memref<1x128x128xf32, #tpu.memory_space<vmem>>
        %dma_wait3A_431 = tpu.memref_squeeze %dma_wait3A_430 : memref<1x128x128xf32, #tpu.memory_space<vmem>> -> memref<128x128xf32, #tpu.memory_space<vmem>>
        %dma_wait3A_432 = arith.constant 0 : i32
        %dma_wait3A_433 = arith.constant 0 : i32
        %dma_wait3A_434 = tpu.memref_slice %arg2[%dma_wait3A_432, %dma_wait3A_433] : memref<10000x128xf32, #tpu.memory_space<hbm>> -> memref<128x128xf32, #tpu.memory_space<hbm>>
        tpu.wait_dma2 semaphore(%arg11 : memref<!tpu.dma_semaphore, #tpu.memory_space<semaphore_mem>>) src(%dma_wait3A_434 : memref<128x128xf32, #tpu.memory_space<hbm>>) dst(%dma_wait3A_431 : memref<128x128xf32, #tpu.memory_space<vmem>>)
      } else {
      }
      %add3A_402 = arith.constant 1 : i32
      %add3A_403 = arith.addi %scan3A_331, %add3A_402 : i32
      %lt3A_404 = arith.constant 40 : i32
      %lt3A_405 = arith.cmpi slt, %add3A_403, %lt3A_404 : i32
      %convert_element_type3A_406 = arith.extui %lt3A_405 : i1 to i32
      %cond3A_407 = arith.constant 0 : i32
      %cond3A_408 = arith.cmpi ne, %convert_element_type3A_406, %cond3A_407 : i32
      scf.if %cond3A_408 {
        %add3A_420 = arith.constant 1 : i32
        %add3A_421 = arith.addi %scan3A_331, %add3A_420 : i32
        %dma_start3A_422 = arith.constant 0 : i32
        %dma_start3A_423 = arith.constant 0 : i32
        %dma_start3A_424 = tpu.memref_slice %arg8[%rem3A_337, %dma_start3A_422, %dma_start3A_423] : memref<2x128x128xf32, #tpu.memory_space<vmem>> -> memref<1x32x128xf32, #tpu.memory_space<vmem>>
        %dma_start3A_425 = tpu.memref_squeeze %dma_start3A_424 : memref<1x32x128xf32, #tpu.memory_space<vmem>> -> memref<32x128xf32, #tpu.memory_space<vmem>>
        %dma_start3A_426 = arith.constant 0 : i32
        %dma_start3A_427 = tpu.memref_slice %arg6[%add3A_421, %dma_start3A_426] : memref<40x128xi32, #tpu.memory_space<vmem>> -> memref<1x32xi32, #tpu.memory_space<vmem>>
        %dma_start3A_428 = tpu.memref_squeeze %dma_start3A_427 : memref<1x32xi32, #tpu.memory_space<vmem>> -> memref<32xi32, #tpu.memory_space<vmem>>
        %dma_start3A_429 = arith.constant 0 : i32
        %dma_start3A_430 = arith.constant 0 : i32
        %dma_start3A_431 = tpu.memref_slice %arg2[%dma_start3A_429, %dma_start3A_430] : memref<10000x128xf32, #tpu.memory_space<hbm>> -> memref<10000x128xf32, #tpu.memory_space<hbm>>
        tpu.enqueue_indirect_dma source(%dma_start3A_431 : memref<10000x128xf32, #tpu.memory_space<hbm>>) target(%dma_start3A_425 : memref<32x128xf32, #tpu.memory_space<vmem>>) offsets(%dma_start3A_428 : memref<32xi32, #tpu.memory_space<vmem>>) semaphore(%arg10 : memref<!tpu.dma_semaphore, #tpu.memory_space<semaphore_mem>>)
        %dma_start3A_432 = arith.constant 32 : i32
        %dma_start3A_433 = arith.constant 0 : i32
        %dma_start3A_434 = tpu.memref_slice %arg8[%rem3A_337, %dma_start3A_432, %dma_start3A_433] : memref<2x128x128xf32, #tpu.memory_space<vmem>> -> memref<1x32x128xf32, #tpu.memory_space<vmem>>
        %dma_start3A_435 = tpu.memref_squeeze %dma_start3A_434 : memref<1x32x128xf32, #tpu.memory_space<vmem>> -> memref<32x128xf32, #tpu.memory_space<vmem>>
        %dma_start3A_436 = arith.constant 32 : i32
        %dma_start3A_437 = tpu.memref_slice %arg6[%add3A_421, %dma_start3A_436] : memref<40x128xi32, #tpu.memory_space<vmem>> -> memref<1x32xi32, #tpu.memory_space<vmem>>
        %dma_start3A_438 = tpu.memref_squeeze %dma_start3A_437 : memref<1x32xi32, #tpu.memory_space<vmem>> -> memref<32xi32, #tpu.memory_space<vmem>>
        %dma_start3A_439 = arith.constant 0 : i32
        %dma_start3A_440 = arith.constant 0 : i32
        %dma_start3A_441 = tpu.memref_slice %arg2[%dma_start3A_439, %dma_start3A_440] : memref<10000x128xf32, #tpu.memory_space<hbm>> -> memref<10000x128xf32, #tpu.memory_space<hbm>>
        tpu.enqueue_indirect_dma source(%dma_start3A_441 : memref<10000x128xf32, #tpu.memory_space<hbm>>) target(%dma_start3A_435 : memref<32x128xf32, #tpu.memory_space<vmem>>) offsets(%dma_start3A_438 : memref<32xi32, #tpu.memory_space<vmem>>) semaphore(%arg10 : memref<!tpu.dma_semaphore, #tpu.memory_space<semaphore_mem>>)
        %dma_start3A_442 = arith.constant 64 : i32
        %dma_start3A_443 = arith.constant 0 : i32
        %dma_start3A_444 = tpu.memref_slice %arg8[%rem3A_337, %dma_start3A_442, %dma_start3A_443] : memref<2x128x128xf32, #tpu.memory_space<vmem>> -> memref<1x32x128xf32, #tpu.memory_space<vmem>>
        %dma_start3A_445 = tpu.memref_squeeze %dma_start3A_444 : memref<1x32x128xf32, #tpu.memory_space<vmem>> -> memref<32x128xf32, #tpu.memory_space<vmem>>
        %dma_start3A_446 = arith.constant 64 : i32
        %dma_start3A_447 = tpu.memref_slice %arg6[%add3A_421, %dma_start3A_446] : memref<40x128xi32, #tpu.memory_space<vmem>> -> memref<1x32xi32, #tpu.memory_space<vmem>>
        %dma_start3A_448 = tpu.memref_squeeze %dma_start3A_447 : memref<1x32xi32, #tpu.memory_space<vmem>> -> memref<32xi32, #tpu.memory_space<vmem>>
        %dma_start3A_449 = arith.constant 0 : i32
        %dma_start3A_450 = arith.constant 0 : i32
        %dma_start3A_451 = tpu.memref_slice %arg2[%dma_start3A_449, %dma_start3A_450] : memref<10000x128xf32, #tpu.memory_space<hbm>> -> memref<10000x128xf32, #tpu.memory_space<hbm>>
        tpu.enqueue_indirect_dma source(%dma_start3A_451 : memref<10000x128xf32, #tpu.memory_space<hbm>>) target(%dma_start3A_445 : memref<32x128xf32, #tpu.memory_space<vmem>>) offsets(%dma_start3A_448 : memref<32xi32, #tpu.memory_space<vmem>>) semaphore(%arg10 : memref<!tpu.dma_semaphore, #tpu.memory_space<semaphore_mem>>)
        %dma_start3A_452 = arith.constant 96 : i32
        %dma_start3A_453 = arith.constant 0 : i32
        %dma_start3A_454 = tpu.memref_slice %arg8[%rem3A_337, %dma_start3A_452, %dma_start3A_453] : memref<2x128x128xf32, #tpu.memory_space<vmem>> -> memref<1x32x128xf32, #tpu.memory_space<vmem>>
        %dma_start3A_455 = tpu.memref_squeeze %dma_start3A_454 : memref<1x32x128xf32, #tpu.memory_space<vmem>> -> memref<32x128xf32, #tpu.memory_space<vmem>>
        %dma_start3A_456 = arith.constant 96 : i32
        %dma_start3A_457 = tpu.memref_slice %arg6[%add3A_421, %dma_start3A_456] : memref<40x128xi32, #tpu.memory_space<vmem>> -> memref<1x32xi32, #tpu.memory_space<vmem>>
        %dma_start3A_458 = tpu.memref_squeeze %dma_start3A_457 : memref<1x32xi32, #tpu.memory_space<vmem>> -> memref<32xi32, #tpu.memory_space<vmem>>
        %dma_start3A_459 = arith.constant 0 : i32
        %dma_start3A_460 = arith.constant 0 : i32
        %dma_start3A_461 = tpu.memref_slice %arg2[%dma_start3A_459, %dma_start3A_460] : memref<10000x128xf32, #tpu.memory_space<hbm>> -> memref<10000x128xf32, #tpu.memory_space<hbm>>
        tpu.enqueue_indirect_dma source(%dma_start3A_461 : memref<10000x128xf32, #tpu.memory_space<hbm>>) target(%dma_start3A_455 : memref<32x128xf32, #tpu.memory_space<vmem>>) offsets(%dma_start3A_458 : memref<32xi32, #tpu.memory_space<vmem>>) semaphore(%arg10 : memref<!tpu.dma_semaphore, #tpu.memory_space<semaphore_mem>>)
      } else {
      }
      %dma_start3A_409 = arith.constant 0 : i32
      %dma_start3A_410 = arith.constant 0 : i32
      %dma_start3A_411 = tpu.memref_slice %arg8[%rem3A_333, %dma_start3A_409, %dma_start3A_410] : memref<2x128x128xf32, #tpu.memory_space<vmem>> -> memref<1x128x128xf32, #tpu.memory_space<vmem>>
      %dma_start3A_412 = tpu.memref_squeeze %dma_start3A_411 : memref<1x128x128xf32, #tpu.memory_space<vmem>> -> memref<128x128xf32, #tpu.memory_space<vmem>>
      %dma_start3A_413 = arith.constant 0 : i32
      %dma_start3A_414 = tpu.memref_slice %arg7[%scan3A_331, %dma_start3A_413] : memref<40x128xi32, #tpu.memory_space<vmem>> -> memref<1x128xi32, #tpu.memory_space<vmem>>
      %dma_start3A_415 = tpu.memref_squeeze %dma_start3A_414 : memref<1x128xi32, #tpu.memory_space<vmem>> -> memref<128xi32, #tpu.memory_space<vmem>>
      %dma_start3A_416 = arith.constant 0 : i32
      %dma_start3A_417 = arith.constant 0 : i32
      %dma_start3A_418 = tpu.memref_slice %arg9[%dma_start3A_416, %dma_start3A_417] : memref<10240x128xf32, #tpu.memory_space<vmem_shared>> -> memref<10240x128xf32, #tpu.memory_space<vmem_shared>>
      tpu.enqueue_indirect_dma source(%dma_start3A_412 : memref<128x128xf32, #tpu.memory_space<vmem>>) target(%dma_start3A_418 : memref<10240x128xf32, #tpu.memory_space<vmem_shared>>) offsets(%dma_start3A_415 : memref<128xi32, #tpu.memory_space<vmem>>) semaphore(%arg11 : memref<!tpu.dma_semaphore, #tpu.memory_space<semaphore_mem>>) {add = true}
      %scan3A_419 = arith.constant 0 : i32
      scf.yield %scan3A_419 : i32
    }
    %scan3A_236 = arith.constant 40 : i32
    %dma_wait3A_237 = arith.constant 0 : i32
    %dma_wait3A_238 = arith.constant 0 : i32
    %dma_wait3A_239 = arith.constant 0 : i32
    %dma_wait3A_240 = tpu.memref_slice %arg8[%dma_wait3A_237, %dma_wait3A_238, %dma_wait3A_239] : memref<2x128x128xf32, #tpu.memory_space<vmem>> -> memref<1x128x128xf32, #tpu.memory_space<vmem>>
    %dma_wait3A_241 = tpu.memref_squeeze %dma_wait3A_240 : memref<1x128x128xf32, #tpu.memory_space<vmem>> -> memref<128x128xf32, #tpu.memory_space<vmem>>
    %dma_wait3A_242 = arith.constant 0 : i32
    %dma_wait3A_243 = arith.constant 0 : i32
    %dma_wait3A_244 = tpu.memref_slice %arg2[%dma_wait3A_242, %dma_wait3A_243] : memref<10000x128xf32, #tpu.memory_space<hbm>> -> memref<128x128xf32, #tpu.memory_space<hbm>>
    %dma_wait3A_245 = arith.constant 0 : i32
    %dma_wait3A_246 = arith.constant 0 : i32
    %dma_wait3A_247 = tpu.memref_slice %arg8[%dma_wait3A_237, %dma_wait3A_245, %dma_wait3A_246] : memref<2x128x128xf32, #tpu.memory_space<vmem>> -> memref<1x128x128xf32, #tpu.memory_space<vmem>>
    %dma_wait3A_248 = tpu.memref_squeeze %dma_wait3A_247 : memref<1x128x128xf32, #tpu.memory_space<vmem>> -> memref<128x128xf32, #tpu.memory_space<vmem>>
    %dma_wait3A_249 = arith.constant 0 : i32
    %dma_wait3A_250 = arith.constant 0 : i32
    %dma_wait3A_251 = tpu.memref_slice %arg2[%dma_wait3A_249, %dma_wait3A_250] : memref<10000x128xf32, #tpu.memory_space<hbm>> -> memref<128x128xf32, #tpu.memory_space<hbm>>
    tpu.wait_dma2 semaphore(%arg11 : memref<!tpu.dma_semaphore, #tpu.memory_space<semaphore_mem>>) src(%dma_wait3A_251 : memref<128x128xf32, #tpu.memory_space<hbm>>) dst(%dma_wait3A_248 : memref<128x128xf32, #tpu.memory_space<vmem>>)
    "tpu.region"() ({
      %run_scoped3A = tpu.sem_alloc : memref<!tpu.dma_semaphore, #tpu.memory_space<semaphore_mem>>
      %dma_start3A_331 = arith.constant 40 : i32
      %dma_start3A_332 = arith.constant 0 : i32
      %dma_start3A_333 = tpu.memref_slice %arg3[%add3A, %dma_start3A_331, %dma_start3A_332] : memref<32x80x128xi32, #tpu.memory_space<hbm>> -> memref<1x40x128xi32, #tpu.memory_space<hbm>>
      %dma_start3A_334 = tpu.memref_squeeze %dma_start3A_333 : memref<1x40x128xi32, #tpu.memory_space<hbm>> -> memref<40x128xi32, #tpu.memory_space<hbm>>
      %dma_start3A_335 = arith.constant 40 : i32
      %dma_start3A_336 = arith.constant 0 : i32
      %dma_start3A_337 = tpu.memref_slice %arg3[%add3A, %dma_start3A_335, %dma_start3A_336] : memref<32x80x128xi32, #tpu.memory_space<hbm>> -> memref<1x40x128xi32, #tpu.memory_space<hbm>>
      %dma_start3A_338 = tpu.memref_squeeze %dma_start3A_337 : memref<1x40x128xi32, #tpu.memory_space<hbm>> -> memref<40x128xi32, #tpu.memory_space<hbm>>
      tpu.enqueue_dma source(%dma_start3A_338 : memref<40x128xi32, #tpu.memory_space<hbm>>) target(%arg6 : memref<40x128xi32, #tpu.memory_space<vmem>>) target_semaphore(%run_scoped3A : memref<!tpu.dma_semaphore, #tpu.memory_space<semaphore_mem>>)
      %dma_wait3A_339 = arith.constant 40 : i32
      %dma_wait3A_340 = arith.constant 0 : i32
      %dma_wait3A_341 = tpu.memref_slice %arg3[%add3A, %dma_wait3A_339, %dma_wait3A_340] : memref<32x80x128xi32, #tpu.memory_space<hbm>> -> memref<1x40x128xi32, #tpu.memory_space<hbm>>
      %dma_wait3A_342 = tpu.memref_squeeze %dma_wait3A_341 : memref<1x40x128xi32, #tpu.memory_space<hbm>> -> memref<40x128xi32, #tpu.memory_space<hbm>>
      %dma_wait3A_343 = arith.constant 40 : i32
      %dma_wait3A_344 = arith.constant 0 : i32
      %dma_wait3A_345 = tpu.memref_slice %arg3[%add3A, %dma_wait3A_343, %dma_wait3A_344] : memref<32x80x128xi32, #tpu.memory_space<hbm>> -> memref<1x40x128xi32, #tpu.memory_space<hbm>>
      %dma_wait3A_346 = tpu.memref_squeeze %dma_wait3A_345 : memref<1x40x128xi32, #tpu.memory_space<hbm>> -> memref<40x128xi32, #tpu.memory_space<hbm>>
      tpu.wait_dma2 semaphore(%run_scoped3A : memref<!tpu.dma_semaphore, #tpu.memory_space<semaphore_mem>>) src(%dma_wait3A_346 : memref<40x128xi32, #tpu.memory_space<hbm>>) dst(%arg6 : memref<40x128xi32, #tpu.memory_space<vmem>>)
      tpu.yield
    }) : () -> ()
    "tpu.region"() ({
      %run_scoped3A = tpu.sem_alloc : memref<!tpu.dma_semaphore, #tpu.memory_space<semaphore_mem>>
      %dma_start3A_331 = arith.constant 40 : i32
      %dma_start3A_332 = arith.constant 0 : i32
      %dma_start3A_333 = tpu.memref_slice %arg4[%add3A, %dma_start3A_331, %dma_start3A_332] : memref<32x80x128xi32, #tpu.memory_space<hbm>> -> memref<1x40x128xi32, #tpu.memory_space<hbm>>
      %dma_start3A_334 = tpu.memref_squeeze %dma_start3A_333 : memref<1x40x128xi32, #tpu.memory_space<hbm>> -> memref<40x128xi32, #tpu.memory_space<hbm>>
      %dma_start3A_335 = arith.constant 40 : i32
      %dma_start3A_336 = arith.constant 0 : i32
      %dma_start3A_337 = tpu.memref_slice %arg4[%add3A, %dma_start3A_335, %dma_start3A_336] : memref<32x80x128xi32, #tpu.memory_space<hbm>> -> memref<1x40x128xi32, #tpu.memory_space<hbm>>
      %dma_start3A_338 = tpu.memref_squeeze %dma_start3A_337 : memref<1x40x128xi32, #tpu.memory_space<hbm>> -> memref<40x128xi32, #tpu.memory_space<hbm>>
      tpu.enqueue_dma source(%dma_start3A_338 : memref<40x128xi32, #tpu.memory_space<hbm>>) target(%arg7 : memref<40x128xi32, #tpu.memory_space<vmem>>) target_semaphore(%run_scoped3A : memref<!tpu.dma_semaphore, #tpu.memory_space<semaphore_mem>>)
      %dma_wait3A_339 = arith.constant 40 : i32
      %dma_wait3A_340 = arith.constant 0 : i32
      %dma_wait3A_341 = tpu.memref_slice %arg4[%add3A, %dma_wait3A_339, %dma_wait3A_340] : memref<32x80x128xi32, #tpu.memory_space<hbm>> -> memref<1x40x128xi32, #tpu.memory_space<hbm>>
      %dma_wait3A_342 = tpu.memref_squeeze %dma_wait3A_341 : memref<1x40x128xi32, #tpu.memory_space<hbm>> -> memref<40x128xi32, #tpu.memory_space<hbm>>
      %dma_wait3A_343 = arith.constant 40 : i32
      %dma_wait3A_344 = arith.constant 0 : i32
      %dma_wait3A_345 = tpu.memref_slice %arg4[%add3A, %dma_wait3A_343, %dma_wait3A_344] : memref<32x80x128xi32, #tpu.memory_space<hbm>> -> memref<1x40x128xi32, #tpu.memory_space<hbm>>
      %dma_wait3A_346 = tpu.memref_squeeze %dma_wait3A_345 : memref<1x40x128xi32, #tpu.memory_space<hbm>> -> memref<40x128xi32, #tpu.memory_space<hbm>>
      tpu.wait_dma2 semaphore(%run_scoped3A : memref<!tpu.dma_semaphore, #tpu.memory_space<semaphore_mem>>) src(%dma_wait3A_346 : memref<40x128xi32, #tpu.memory_space<hbm>>) dst(%arg7 : memref<40x128xi32, #tpu.memory_space<vmem>>)
      tpu.yield
    }) : () -> ()
    %dma_start3A_252 = arith.constant 0 : i32
    %dma_start3A_253 = arith.constant 0 : i32
    %dma_start3A_254 = arith.constant 0 : i32
    %dma_start3A_255 = arith.constant 0 : i32
    %dma_start3A_256 = tpu.memref_slice %arg8[%dma_start3A_253, %dma_start3A_254, %dma_start3A_255] : memref<2x128x128xf32, #tpu.memory_space<vmem>> -> memref<1x32x128xf32, #tpu.memory_space<vmem>>
    %dma_start3A_257 = tpu.memref_squeeze %dma_start3A_256 : memref<1x32x128xf32, #tpu.memory_space<vmem>> -> memref<32x128xf32, #tpu.memory_space<vmem>>
    %dma_start3A_258 = arith.constant 0 : i32
    %dma_start3A_259 = tpu.memref_slice %arg6[%dma_start3A_252, %dma_start3A_258] : memref<40x128xi32, #tpu.memory_space<vmem>> -> memref<1x32xi32, #tpu.memory_space<vmem>>
    %dma_start3A_260 = tpu.memref_squeeze %dma_start3A_259 : memref<1x32xi32, #tpu.memory_space<vmem>> -> memref<32xi32, #tpu.memory_space<vmem>>
    %dma_start3A_261 = arith.constant 0 : i32
    %dma_start3A_262 = arith.constant 0 : i32
    %dma_start3A_263 = tpu.memref_slice %arg2[%dma_start3A_261, %dma_start3A_262] : memref<10000x128xf32, #tpu.memory_space<hbm>> -> memref<10000x128xf32, #tpu.memory_space<hbm>>
    tpu.enqueue_indirect_dma source(%dma_start3A_263 : memref<10000x128xf32, #tpu.memory_space<hbm>>) target(%dma_start3A_257 : memref<32x128xf32, #tpu.memory_space<vmem>>) offsets(%dma_start3A_260 : memref<32xi32, #tpu.memory_space<vmem>>) semaphore(%arg10 : memref<!tpu.dma_semaphore, #tpu.memory_space<semaphore_mem>>)
    %dma_start3A_264 = arith.constant 0 : i32
    %dma_start3A_265 = arith.constant 0 : i32
    %dma_start3A_266 = arith.constant 32 : i32
    %dma_start3A_267 = arith.constant 0 : i32
    %dma_start3A_268 = tpu.memref_slice %arg8[%dma_start3A_265, %dma_start3A_266, %dma_start3A_267] : memref<2x128x128xf32, #tpu.memory_space<vmem>> -> memref<1x32x128xf32, #tpu.memory_space<vmem>>
    %dma_start3A_269 = tpu.memref_squeeze %dma_start3A_268 : memref<1x32x128xf32, #tpu.memory_space<vmem>> -> memref<32x128xf32, #tpu.memory_space<vmem>>
    %dma_start3A_270 = arith.constant 32 : i32
    %dma_start3A_271 = tpu.memref_slice %arg6[%dma_start3A_264, %dma_start3A_270] : memref<40x128xi32, #tpu.memory_space<vmem>> -> memref<1x32xi32, #tpu.memory_space<vmem>>
    %dma_start3A_272 = tpu.memref_squeeze %dma_start3A_271 : memref<1x32xi32, #tpu.memory_space<vmem>> -> memref<32xi32, #tpu.memory_space<vmem>>
    %dma_start3A_273 = arith.constant 0 : i32
    %dma_start3A_274 = arith.constant 0 : i32
    %dma_start3A_275 = tpu.memref_slice %arg2[%dma_start3A_273, %dma_start3A_274] : memref<10000x128xf32, #tpu.memory_space<hbm>> -> memref<10000x128xf32, #tpu.memory_space<hbm>>
    tpu.enqueue_indirect_dma source(%dma_start3A_275 : memref<10000x128xf32, #tpu.memory_space<hbm>>) target(%dma_start3A_269 : memref<32x128xf32, #tpu.memory_space<vmem>>) offsets(%dma_start3A_272 : memref<32xi32, #tpu.memory_space<vmem>>) semaphore(%arg10 : memref<!tpu.dma_semaphore, #tpu.memory_space<semaphore_mem>>)
    %dma_start3A_276 = arith.constant 0 : i32
    %dma_start3A_277 = arith.constant 0 : i32
    %dma_start3A_278 = arith.constant 64 : i32
    %dma_start3A_279 = arith.constant 0 : i32
    %dma_start3A_280 = tpu.memref_slice %arg8[%dma_start3A_277, %dma_start3A_278, %dma_start3A_279] : memref<2x128x128xf32, #tpu.memory_space<vmem>> -> memref<1x32x128xf32, #tpu.memory_space<vmem>>
    %dma_start3A_281 = tpu.memref_squeeze %dma_start3A_280 : memref<1x32x128xf32, #tpu.memory_space<vmem>> -> memref<32x128xf32, #tpu.memory_space<vmem>>
    %dma_start3A_282 = arith.constant 64 : i32
    %dma_start3A_283 = tpu.memref_slice %arg6[%dma_start3A_276, %dma_start3A_282] : memref<40x128xi32, #tpu.memory_space<vmem>> -> memref<1x32xi32, #tpu.memory_space<vmem>>
    %dma_start3A_284 = tpu.memref_squeeze %dma_start3A_283 : memref<1x32xi32, #tpu.memory_space<vmem>> -> memref<32xi32, #tpu.memory_space<vmem>>
    %dma_start3A_285 = arith.constant 0 : i32
    %dma_start3A_286 = arith.constant 0 : i32
    %dma_start3A_287 = tpu.memref_slice %arg2[%dma_start3A_285, %dma_start3A_286] : memref<10000x128xf32, #tpu.memory_space<hbm>> -> memref<10000x128xf32, #tpu.memory_space<hbm>>
    tpu.enqueue_indirect_dma source(%dma_start3A_287 : memref<10000x128xf32, #tpu.memory_space<hbm>>) target(%dma_start3A_281 : memref<32x128xf32, #tpu.memory_space<vmem>>) offsets(%dma_start3A_284 : memref<32xi32, #tpu.memory_space<vmem>>) semaphore(%arg10 : memref<!tpu.dma_semaphore, #tpu.memory_space<semaphore_mem>>)
    %dma_start3A_288 = arith.constant 0 : i32
    %dma_start3A_289 = arith.constant 0 : i32
    %dma_start3A_290 = arith.constant 96 : i32
    %dma_start3A_291 = arith.constant 0 : i32
    %dma_start3A_292 = tpu.memref_slice %arg8[%dma_start3A_289, %dma_start3A_290, %dma_start3A_291] : memref<2x128x128xf32, #tpu.memory_space<vmem>> -> memref<1x32x128xf32, #tpu.memory_space<vmem>>
    %dma_start3A_293 = tpu.memref_squeeze %dma_start3A_292 : memref<1x32x128xf32, #tpu.memory_space<vmem>> -> memref<32x128xf32, #tpu.memory_space<vmem>>
    %dma_start3A_294 = arith.constant 96 : i32
    %dma_start3A_295 = tpu.memref_slice %arg6[%dma_start3A_288, %dma_start3A_294] : memref<40x128xi32, #tpu.memory_space<vmem>> -> memref<1x32xi32, #tpu.memory_space<vmem>>
    %dma_start3A_296 = tpu.memref_squeeze %dma_start3A_295 : memref<1x32xi32, #tpu.memory_space<vmem>> -> memref<32xi32, #tpu.memory_space<vmem>>
    %dma_start3A_297 = arith.constant 0 : i32
    %dma_start3A_298 = arith.constant 0 : i32
    %dma_start3A_299 = tpu.memref_slice %arg2[%dma_start3A_297, %dma_start3A_298] : memref<10000x128xf32, #tpu.memory_space<hbm>> -> memref<10000x128xf32, #tpu.memory_space<hbm>>
    tpu.enqueue_indirect_dma source(%dma_start3A_299 : memref<10000x128xf32, #tpu.memory_space<hbm>>) target(%dma_start3A_293 : memref<32x128xf32, #tpu.memory_space<vmem>>) offsets(%dma_start3A_296 : memref<32xi32, #tpu.memory_space<vmem>>) semaphore(%arg10 : memref<!tpu.dma_semaphore, #tpu.memory_space<semaphore_mem>>)
    %scan3A_300 = arith.constant 0 : i32
    %scan3A_301 = arith.constant 0 : i32
    %scan3A_302 = arith.constant 40 : i32
    %scan3A_303 = arith.addi %scan3A_301, %scan3A_302 : i32
    %scan3A_304 = arith.constant 1 : i32
    %scan3A_305 = scf.for %scan3A_331 = %scan3A_301 to %scan3A_303 step %scan3A_304 iter_args(%scan3A_332 = %scan3A_300) -> (i32)  : i32 {
      %rem3A = arith.constant 2 : i32
      %rem3A_333 = arith.remsi %scan3A_331, %rem3A : i32
      %add3A_334 = arith.constant 1 : i32
      %add3A_335 = arith.addi %scan3A_331, %add3A_334 : i32
      %rem3A_336 = arith.constant 2 : i32
      %rem3A_337 = arith.remsi %add3A_335, %rem3A_336 : i32
      %dma_wait3A_338 = arith.constant 0 : i32
      %dma_wait3A_339 = arith.constant 0 : i32
      %dma_wait3A_340 = arith.constant 0 : i32
      %dma_wait3A_341 = tpu.memref_slice %arg8[%dma_wait3A_338, %dma_wait3A_339, %dma_wait3A_340] : memref<2x128x128xf32, #tpu.memory_space<vmem>> -> memref<1x32x128xf32, #tpu.memory_space<vmem>>
      %dma_wait3A_342 = tpu.memref_squeeze %dma_wait3A_341 : memref<1x32x128xf32, #tpu.memory_space<vmem>> -> memref<32x128xf32, #tpu.memory_space<vmem>>
      %dma_wait3A_343 = arith.constant 0 : i32
      %dma_wait3A_344 = arith.constant 0 : i32
      %dma_wait3A_345 = tpu.memref_slice %arg2[%dma_wait3A_343, %dma_wait3A_344] : memref<10000x128xf32, #tpu.memory_space<hbm>> -> memref<32x128xf32, #tpu.memory_space<hbm>>
      %dma_wait3A_346 = arith.constant 0 : i32
      %dma_wait3A_347 = arith.constant 0 : i32
      %dma_wait3A_348 = tpu.memref_slice %arg8[%dma_wait3A_338, %dma_wait3A_346, %dma_wait3A_347] : memref<2x128x128xf32, #tpu.memory_space<vmem>> -> memref<1x32x128xf32, #tpu.memory_space<vmem>>
      %dma_wait3A_349 = tpu.memref_squeeze %dma_wait3A_348 : memref<1x32x128xf32, #tpu.memory_space<vmem>> -> memref<32x128xf32, #tpu.memory_space<vmem>>
      %dma_wait3A_350 = arith.constant 0 : i32
      %dma_wait3A_351 = arith.constant 0 : i32
      %dma_wait3A_352 = tpu.memref_slice %arg2[%dma_wait3A_350, %dma_wait3A_351] : memref<10000x128xf32, #tpu.memory_space<hbm>> -> memref<32x128xf32, #tpu.memory_space<hbm>>
      tpu.wait_dma2 semaphore(%arg10 : memref<!tpu.dma_semaphore, #tpu.memory_space<semaphore_mem>>) src(%dma_wait3A_352 : memref<32x128xf32, #tpu.memory_space<hbm>>) dst(%dma_wait3A_349 : memref<32x128xf32, #tpu.memory_space<vmem>>)
      %dma_wait3A_353 = arith.constant 0 : i32
      %dma_wait3A_354 = arith.constant 0 : i32
      %dma_wait3A_355 = arith.constant 0 : i32
      %dma_wait3A_356 = tpu.memref_slice %arg8[%dma_wait3A_353, %dma_wait3A_354, %dma_wait3A_355] : memref<2x128x128xf32, #tpu.memory_space<vmem>> -> memref<1x32x128xf32, #tpu.memory_space<vmem>>
      %dma_wait3A_357 = tpu.memref_squeeze %dma_wait3A_356 : memref<1x32x128xf32, #tpu.memory_space<vmem>> -> memref<32x128xf32, #tpu.memory_space<vmem>>
      %dma_wait3A_358 = arith.constant 0 : i32
      %dma_wait3A_359 = arith.constant 0 : i32
      %dma_wait3A_360 = tpu.memref_slice %arg2[%dma_wait3A_358, %dma_wait3A_359] : memref<10000x128xf32, #tpu.memory_space<hbm>> -> memref<32x128xf32, #tpu.memory_space<hbm>>
      %dma_wait3A_361 = arith.constant 0 : i32
      %dma_wait3A_362 = arith.constant 0 : i32
      %dma_wait3A_363 = tpu.memref_slice %arg8[%dma_wait3A_353, %dma_wait3A_361, %dma_wait3A_362] : memref<2x128x128xf32, #tpu.memory_space<vmem>> -> memref<1x32x128xf32, #tpu.memory_space<vmem>>
      %dma_wait3A_364 = tpu.memref_squeeze %dma_wait3A_363 : memref<1x32x128xf32, #tpu.memory_space<vmem>> -> memref<32x128xf32, #tpu.memory_space<vmem>>
      %dma_wait3A_365 = arith.constant 0 : i32
      %dma_wait3A_366 = arith.constant 0 : i32
      %dma_wait3A_367 = tpu.memref_slice %arg2[%dma_wait3A_365, %dma_wait3A_366] : memref<10000x128xf32, #tpu.memory_space<hbm>> -> memref<32x128xf32, #tpu.memory_space<hbm>>
      tpu.wait_dma2 semaphore(%arg10 : memref<!tpu.dma_semaphore, #tpu.memory_space<semaphore_mem>>) src(%dma_wait3A_367 : memref<32x128xf32, #tpu.memory_space<hbm>>) dst(%dma_wait3A_364 : memref<32x128xf32, #tpu.memory_space<vmem>>)
      %dma_wait3A_368 = arith.constant 0 : i32
      %dma_wait3A_369 = arith.constant 0 : i32
      %dma_wait3A_370 = arith.constant 0 : i32
      %dma_wait3A_371 = tpu.memref_slice %arg8[%dma_wait3A_368, %dma_wait3A_369, %dma_wait3A_370] : memref<2x128x128xf32, #tpu.memory_space<vmem>> -> memref<1x32x128xf32, #tpu.memory_space<vmem>>
      %dma_wait3A_372 = tpu.memref_squeeze %dma_wait3A_371 : memref<1x32x128xf32, #tpu.memory_space<vmem>> -> memref<32x128xf32, #tpu.memory_space<vmem>>
      %dma_wait3A_373 = arith.constant 0 : i32
      %dma_wait3A_374 = arith.constant 0 : i32
      %dma_wait3A_375 = tpu.memref_slice %arg2[%dma_wait3A_373, %dma_wait3A_374] : memref<10000x128xf32, #tpu.memory_space<hbm>> -> memref<32x128xf32, #tpu.memory_space<hbm>>
      %dma_wait3A_376 = arith.constant 0 : i32
      %dma_wait3A_377 = arith.constant 0 : i32
      %dma_wait3A_378 = tpu.memref_slice %arg8[%dma_wait3A_368, %dma_wait3A_376, %dma_wait3A_377] : memref<2x128x128xf32, #tpu.memory_space<vmem>> -> memref<1x32x128xf32, #tpu.memory_space<vmem>>
      %dma_wait3A_379 = tpu.memref_squeeze %dma_wait3A_378 : memref<1x32x128xf32, #tpu.memory_space<vmem>> -> memref<32x128xf32, #tpu.memory_space<vmem>>
      %dma_wait3A_380 = arith.constant 0 : i32
      %dma_wait3A_381 = arith.constant 0 : i32
      %dma_wait3A_382 = tpu.memref_slice %arg2[%dma_wait3A_380, %dma_wait3A_381] : memref<10000x128xf32, #tpu.memory_space<hbm>> -> memref<32x128xf32, #tpu.memory_space<hbm>>
      tpu.wait_dma2 semaphore(%arg10 : memref<!tpu.dma_semaphore, #tpu.memory_space<semaphore_mem>>) src(%dma_wait3A_382 : memref<32x128xf32, #tpu.memory_space<hbm>>) dst(%dma_wait3A_379 : memref<32x128xf32, #tpu.memory_space<vmem>>)
      %dma_wait3A_383 = arith.constant 0 : i32
      %dma_wait3A_384 = arith.constant 0 : i32
      %dma_wait3A_385 = arith.constant 0 : i32
      %dma_wait3A_386 = tpu.memref_slice %arg8[%dma_wait3A_383, %dma_wait3A_384, %dma_wait3A_385] : memref<2x128x128xf32, #tpu.memory_space<vmem>> -> memref<1x32x128xf32, #tpu.memory_space<vmem>>
      %dma_wait3A_387 = tpu.memref_squeeze %dma_wait3A_386 : memref<1x32x128xf32, #tpu.memory_space<vmem>> -> memref<32x128xf32, #tpu.memory_space<vmem>>
      %dma_wait3A_388 = arith.constant 0 : i32
      %dma_wait3A_389 = arith.constant 0 : i32
      %dma_wait3A_390 = tpu.memref_slice %arg2[%dma_wait3A_388, %dma_wait3A_389] : memref<10000x128xf32, #tpu.memory_space<hbm>> -> memref<32x128xf32, #tpu.memory_space<hbm>>
      %dma_wait3A_391 = arith.constant 0 : i32
      %dma_wait3A_392 = arith.constant 0 : i32
      %dma_wait3A_393 = tpu.memref_slice %arg8[%dma_wait3A_383, %dma_wait3A_391, %dma_wait3A_392] : memref<2x128x128xf32, #tpu.memory_space<vmem>> -> memref<1x32x128xf32, #tpu.memory_space<vmem>>
      %dma_wait3A_394 = tpu.memref_squeeze %dma_wait3A_393 : memref<1x32x128xf32, #tpu.memory_space<vmem>> -> memref<32x128xf32, #tpu.memory_space<vmem>>
      %dma_wait3A_395 = arith.constant 0 : i32
      %dma_wait3A_396 = arith.constant 0 : i32
      %dma_wait3A_397 = tpu.memref_slice %arg2[%dma_wait3A_395, %dma_wait3A_396] : memref<10000x128xf32, #tpu.memory_space<hbm>> -> memref<32x128xf32, #tpu.memory_space<hbm>>
      tpu.wait_dma2 semaphore(%arg10 : memref<!tpu.dma_semaphore, #tpu.memory_space<semaphore_mem>>) src(%dma_wait3A_397 : memref<32x128xf32, #tpu.memory_space<hbm>>) dst(%dma_wait3A_394 : memref<32x128xf32, #tpu.memory_space<vmem>>)
      %ge3A = arith.constant 1 : i32
      %ge3A_398 = arith.cmpi sge, %scan3A_331, %ge3A : i32
      %convert_element_type3A_399 = arith.extui %ge3A_398 : i1 to i32
      %cond3A_400 = arith.constant 0 : i32
      %cond3A_401 = arith.cmpi ne, %convert_element_type3A_399, %cond3A_400 : i32
      scf.if %cond3A_401 {
        %dma_wait3A_420 = arith.constant 0 : i32
        %dma_wait3A_421 = arith.constant 0 : i32
        %dma_wait3A_422 = arith.constant 0 : i32
        %dma_wait3A_423 = tpu.memref_slice %arg8[%dma_wait3A_420, %dma_wait3A_421, %dma_wait3A_422] : memref<2x128x128xf32, #tpu.memory_space<vmem>> -> memref<1x128x128xf32, #tpu.memory_space<vmem>>
        %dma_wait3A_424 = tpu.memref_squeeze %dma_wait3A_423 : memref<1x128x128xf32, #tpu.memory_space<vmem>> -> memref<128x128xf32, #tpu.memory_space<vmem>>
        %dma_wait3A_425 = arith.constant 0 : i32
        %dma_wait3A_426 = arith.constant 0 : i32
        %dma_wait3A_427 = tpu.memref_slice %arg2[%dma_wait3A_425, %dma_wait3A_426] : memref<10000x128xf32, #tpu.memory_space<hbm>> -> memref<128x128xf32, #tpu.memory_space<hbm>>
        %dma_wait3A_428 = arith.constant 0 : i32
        %dma_wait3A_429 = arith.constant 0 : i32
        %dma_wait3A_430 = tpu.memref_slice %arg8[%dma_wait3A_420, %dma_wait3A_428, %dma_wait3A_429] : memref<2x128x128xf32, #tpu.memory_space<vmem>> -> memref<1x128x128xf32, #tpu.memory_space<vmem>>
        %dma_wait3A_431 = tpu.memref_squeeze %dma_wait3A_430 : memref<1x128x128xf32, #tpu.memory_space<vmem>> -> memref<128x128xf32, #tpu.memory_space<vmem>>
        %dma_wait3A_432 = arith.constant 0 : i32
        %dma_wait3A_433 = arith.constant 0 : i32
        %dma_wait3A_434 = tpu.memref_slice %arg2[%dma_wait3A_432, %dma_wait3A_433] : memref<10000x128xf32, #tpu.memory_space<hbm>> -> memref<128x128xf32, #tpu.memory_space<hbm>>
        tpu.wait_dma2 semaphore(%arg11 : memref<!tpu.dma_semaphore, #tpu.memory_space<semaphore_mem>>) src(%dma_wait3A_434 : memref<128x128xf32, #tpu.memory_space<hbm>>) dst(%dma_wait3A_431 : memref<128x128xf32, #tpu.memory_space<vmem>>)
      } else {
      }
      %add3A_402 = arith.constant 1 : i32
      %add3A_403 = arith.addi %scan3A_331, %add3A_402 : i32
      %lt3A_404 = arith.constant 40 : i32
      %lt3A_405 = arith.cmpi slt, %add3A_403, %lt3A_404 : i32
      %convert_element_type3A_406 = arith.extui %lt3A_405 : i1 to i32
      %cond3A_407 = arith.constant 0 : i32
      %cond3A_408 = arith.cmpi ne, %convert_element_type3A_406, %cond3A_407 : i32
      scf.if %cond3A_408 {
        %add3A_420 = arith.constant 1 : i32
        %add3A_421 = arith.addi %scan3A_331, %add3A_420 : i32
        %dma_start3A_422 = arith.constant 0 : i32
        %dma_start3A_423 = arith.constant 0 : i32
        %dma_start3A_424 = tpu.memref_slice %arg8[%rem3A_337, %dma_start3A_422, %dma_start3A_423] : memref<2x128x128xf32, #tpu.memory_space<vmem>> -> memref<1x32x128xf32, #tpu.memory_space<vmem>>
        %dma_start3A_425 = tpu.memref_squeeze %dma_start3A_424 : memref<1x32x128xf32, #tpu.memory_space<vmem>> -> memref<32x128xf32, #tpu.memory_space<vmem>>
        %dma_start3A_426 = arith.constant 0 : i32
        %dma_start3A_427 = tpu.memref_slice %arg6[%add3A_421, %dma_start3A_426] : memref<40x128xi32, #tpu.memory_space<vmem>> -> memref<1x32xi32, #tpu.memory_space<vmem>>
        %dma_start3A_428 = tpu.memref_squeeze %dma_start3A_427 : memref<1x32xi32, #tpu.memory_space<vmem>> -> memref<32xi32, #tpu.memory_space<vmem>>
        %dma_start3A_429 = arith.constant 0 : i32
        %dma_start3A_430 = arith.constant 0 : i32
        %dma_start3A_431 = tpu.memref_slice %arg2[%dma_start3A_429, %dma_start3A_430] : memref<10000x128xf32, #tpu.memory_space<hbm>> -> memref<10000x128xf32, #tpu.memory_space<hbm>>
        tpu.enqueue_indirect_dma source(%dma_start3A_431 : memref<10000x128xf32, #tpu.memory_space<hbm>>) target(%dma_start3A_425 : memref<32x128xf32, #tpu.memory_space<vmem>>) offsets(%dma_start3A_428 : memref<32xi32, #tpu.memory_space<vmem>>) semaphore(%arg10 : memref<!tpu.dma_semaphore, #tpu.memory_space<semaphore_mem>>)
        %dma_start3A_432 = arith.constant 32 : i32
        %dma_start3A_433 = arith.constant 0 : i32
        %dma_start3A_434 = tpu.memref_slice %arg8[%rem3A_337, %dma_start3A_432, %dma_start3A_433] : memref<2x128x128xf32, #tpu.memory_space<vmem>> -> memref<1x32x128xf32, #tpu.memory_space<vmem>>
        %dma_start3A_435 = tpu.memref_squeeze %dma_start3A_434 : memref<1x32x128xf32, #tpu.memory_space<vmem>> -> memref<32x128xf32, #tpu.memory_space<vmem>>
        %dma_start3A_436 = arith.constant 32 : i32
        %dma_start3A_437 = tpu.memref_slice %arg6[%add3A_421, %dma_start3A_436] : memref<40x128xi32, #tpu.memory_space<vmem>> -> memref<1x32xi32, #tpu.memory_space<vmem>>
        %dma_start3A_438 = tpu.memref_squeeze %dma_start3A_437 : memref<1x32xi32, #tpu.memory_space<vmem>> -> memref<32xi32, #tpu.memory_space<vmem>>
        %dma_start3A_439 = arith.constant 0 : i32
        %dma_start3A_440 = arith.constant 0 : i32
        %dma_start3A_441 = tpu.memref_slice %arg2[%dma_start3A_439, %dma_start3A_440] : memref<10000x128xf32, #tpu.memory_space<hbm>> -> memref<10000x128xf32, #tpu.memory_space<hbm>>
        tpu.enqueue_indirect_dma source(%dma_start3A_441 : memref<10000x128xf32, #tpu.memory_space<hbm>>) target(%dma_start3A_435 : memref<32x128xf32, #tpu.memory_space<vmem>>) offsets(%dma_start3A_438 : memref<32xi32, #tpu.memory_space<vmem>>) semaphore(%arg10 : memref<!tpu.dma_semaphore, #tpu.memory_space<semaphore_mem>>)
        %dma_start3A_442 = arith.constant 64 : i32
        %dma_start3A_443 = arith.constant 0 : i32
        %dma_start3A_444 = tpu.memref_slice %arg8[%rem3A_337, %dma_start3A_442, %dma_start3A_443] : memref<2x128x128xf32, #tpu.memory_space<vmem>> -> memref<1x32x128xf32, #tpu.memory_space<vmem>>
        %dma_start3A_445 = tpu.memref_squeeze %dma_start3A_444 : memref<1x32x128xf32, #tpu.memory_space<vmem>> -> memref<32x128xf32, #tpu.memory_space<vmem>>
        %dma_start3A_446 = arith.constant 64 : i32
        %dma_start3A_447 = tpu.memref_slice %arg6[%add3A_421, %dma_start3A_446] : memref<40x128xi32, #tpu.memory_space<vmem>> -> memref<1x32xi32, #tpu.memory_space<vmem>>
        %dma_start3A_448 = tpu.memref_squeeze %dma_start3A_447 : memref<1x32xi32, #tpu.memory_space<vmem>> -> memref<32xi32, #tpu.memory_space<vmem>>
        %dma_start3A_449 = arith.constant 0 : i32
        %dma_start3A_450 = arith.constant 0 : i32
        %dma_start3A_451 = tpu.memref_slice %arg2[%dma_start3A_449, %dma_start3A_450] : memref<10000x128xf32, #tpu.memory_space<hbm>> -> memref<10000x128xf32, #tpu.memory_space<hbm>>
        tpu.enqueue_indirect_dma source(%dma_start3A_451 : memref<10000x128xf32, #tpu.memory_space<hbm>>) target(%dma_start3A_445 : memref<32x128xf32, #tpu.memory_space<vmem>>) offsets(%dma_start3A_448 : memref<32xi32, #tpu.memory_space<vmem>>) semaphore(%arg10 : memref<!tpu.dma_semaphore, #tpu.memory_space<semaphore_mem>>)
        %dma_start3A_452 = arith.constant 96 : i32
        %dma_start3A_453 = arith.constant 0 : i32
        %dma_start3A_454 = tpu.memref_slice %arg8[%rem3A_337, %dma_start3A_452, %dma_start3A_453] : memref<2x128x128xf32, #tpu.memory_space<vmem>> -> memref<1x32x128xf32, #tpu.memory_space<vmem>>
        %dma_start3A_455 = tpu.memref_squeeze %dma_start3A_454 : memref<1x32x128xf32, #tpu.memory_space<vmem>> -> memref<32x128xf32, #tpu.memory_space<vmem>>
        %dma_start3A_456 = arith.constant 96 : i32
        %dma_start3A_457 = tpu.memref_slice %arg6[%add3A_421, %dma_start3A_456] : memref<40x128xi32, #tpu.memory_space<vmem>> -> memref<1x32xi32, #tpu.memory_space<vmem>>
        %dma_start3A_458 = tpu.memref_squeeze %dma_start3A_457 : memref<1x32xi32, #tpu.memory_space<vmem>> -> memref<32xi32, #tpu.memory_space<vmem>>
        %dma_start3A_459 = arith.constant 0 : i32
        %dma_start3A_460 = arith.constant 0 : i32
        %dma_start3A_461 = tpu.memref_slice %arg2[%dma_start3A_459, %dma_start3A_460] : memref<10000x128xf32, #tpu.memory_space<hbm>> -> memref<10000x128xf32, #tpu.memory_space<hbm>>
        tpu.enqueue_indirect_dma source(%dma_start3A_461 : memref<10000x128xf32, #tpu.memory_space<hbm>>) target(%dma_start3A_455 : memref<32x128xf32, #tpu.memory_space<vmem>>) offsets(%dma_start3A_458 : memref<32xi32, #tpu.memory_space<vmem>>) semaphore(%arg10 : memref<!tpu.dma_semaphore, #tpu.memory_space<semaphore_mem>>)
      } else {
      }
      %dma_start3A_409 = arith.constant 0 : i32
      %dma_start3A_410 = arith.constant 0 : i32
      %dma_start3A_411 = tpu.memref_slice %arg8[%rem3A_333, %dma_start3A_409, %dma_start3A_410] : memref<2x128x128xf32, #tpu.memory_space<vmem>> -> memref<1x128x128xf32, #tpu.memory_space<vmem>>
      %dma_start3A_412 = tpu.memref_squeeze %dma_start3A_411 : memref<1x128x128xf32, #tpu.memory_space<vmem>> -> memref<128x128xf32, #tpu.memory_space<vmem>>
      %dma_start3A_413 = arith.constant 0 : i32
      %dma_start3A_414 = tpu.memref_slice %arg7[%scan3A_331, %dma_start3A_413] : memref<40x128xi32, #tpu.memory_space<vmem>> -> memref<1x128xi32, #tpu.memory_space<vmem>>
      %dma_start3A_415 = tpu.memref_squeeze %dma_start3A_414 : memref<1x128xi32, #tpu.memory_space<vmem>> -> memref<128xi32, #tpu.memory_space<vmem>>
      %dma_start3A_416 = arith.constant 0 : i32
      %dma_start3A_417 = arith.constant 0 : i32
      %dma_start3A_418 = tpu.memref_slice %arg9[%dma_start3A_416, %dma_start3A_417] : memref<10240x128xf32, #tpu.memory_space<vmem_shared>> -> memref<10240x128xf32, #tpu.memory_space<vmem_shared>>
      tpu.enqueue_indirect_dma source(%dma_start3A_412 : memref<128x128xf32, #tpu.memory_space<vmem>>) target(%dma_start3A_418 : memref<10240x128xf32, #tpu.memory_space<vmem_shared>>) offsets(%dma_start3A_415 : memref<128xi32, #tpu.memory_space<vmem>>) semaphore(%arg11 : memref<!tpu.dma_semaphore, #tpu.memory_space<semaphore_mem>>) {add = true}
      %scan3A_419 = arith.constant 0 : i32
      scf.yield %scan3A_419 : i32
    }
    %scan3A_306 = arith.constant 40 : i32
    %dma_wait3A_307 = arith.constant 0 : i32
    %dma_wait3A_308 = arith.constant 0 : i32
    %dma_wait3A_309 = arith.constant 0 : i32
    %dma_wait3A_310 = tpu.memref_slice %arg8[%dma_wait3A_307, %dma_wait3A_308, %dma_wait3A_309] : memref<2x128x128xf32, #tpu.memory_space<vmem>> -> memref<1x128x128xf32, #tpu.memory_space<vmem>>
    %dma_wait3A_311 = tpu.memref_squeeze %dma_wait3A_310 : memref<1x128x128xf32, #tpu.memory_space<vmem>> -> memref<128x128xf32, #tpu.memory_space<vmem>>
    %dma_wait3A_312 = arith.constant 0 : i32
    %dma_wait3A_313 = arith.constant 0 : i32
    %dma_wait3A_314 = tpu.memref_slice %arg2[%dma_wait3A_312, %dma_wait3A_313] : memref<10000x128xf32, #tpu.memory_space<hbm>> -> memref<128x128xf32, #tpu.memory_space<hbm>>
    %dma_wait3A_315 = arith.constant 0 : i32
    %dma_wait3A_316 = arith.constant 0 : i32
    %dma_wait3A_317 = tpu.memref_slice %arg8[%dma_wait3A_307, %dma_wait3A_315, %dma_wait3A_316] : memref<2x128x128xf32, #tpu.memory_space<vmem>> -> memref<1x128x128xf32, #tpu.memory_space<vmem>>
    %dma_wait3A_318 = tpu.memref_squeeze %dma_wait3A_317 : memref<1x128x128xf32, #tpu.memory_space<vmem>> -> memref<128x128xf32, #tpu.memory_space<vmem>>
    %dma_wait3A_319 = arith.constant 0 : i32
    %dma_wait3A_320 = arith.constant 0 : i32
    %dma_wait3A_321 = tpu.memref_slice %arg2[%dma_wait3A_319, %dma_wait3A_320] : memref<10000x128xf32, #tpu.memory_space<hbm>> -> memref<128x128xf32, #tpu.memory_space<hbm>>
    tpu.wait_dma2 semaphore(%arg11 : memref<!tpu.dma_semaphore, #tpu.memory_space<semaphore_mem>>) src(%dma_wait3A_321 : memref<128x128xf32, #tpu.memory_space<hbm>>) dst(%dma_wait3A_318 : memref<128x128xf32, #tpu.memory_space<vmem>>)
    %barrier3A_322 = arith.constant 0 : index
    tpu.barrier barrier_id(%barrier3A_322)
    %mul3A_323 = arith.constant 624 : i32
    %mul3A_324 = arith.muli %arg1, %mul3A_323 : i32
    %lt3A = arith.constant 15 : i32
    %lt3A_325 = arith.cmpi slt, %arg1, %lt3A : i32
    %convert_element_type3A = arith.extui %lt3A_325 : i1 to i32
    %cond3A = arith.constant 0 : i32
    %cond3A_326 = arith.cmpi ne, %convert_element_type3A, %cond3A : i32
    scf.if %cond3A_326 {
      "tpu.region"() ({
        %run_scoped3A = tpu.sem_alloc : memref<!tpu.dma_semaphore, #tpu.memory_space<semaphore_mem>>
        %dma_start3A_331 = arith.constant 0 : i32
        %dma_start3A_332 = tpu.memref_slice %arg5[%arg0, %mul3A_324, %dma_start3A_331] : memref<2x10000x128xf32, #tpu.memory_space<hbm>> -> memref<1x624x128xf32, #tpu.memory_space<hbm>>
        %dma_start3A_333 = tpu.memref_squeeze %dma_start3A_332 : memref<1x624x128xf32, #tpu.memory_space<hbm>> -> memref<624x128xf32, #tpu.memory_space<hbm>>
        %dma_start3A_334 = arith.constant 0 : i32
        %dma_start3A_335 = tpu.memref_slice %arg9[%mul3A_324, %dma_start3A_334] : memref<10240x128xf32, #tpu.memory_space<vmem_shared>> -> memref<624x128xf32, #tpu.memory_space<vmem_shared>>
        tpu.enqueue_dma source(%dma_start3A_335 : memref<624x128xf32, #tpu.memory_space<vmem_shared>>) target(%dma_start3A_333 : memref<624x128xf32, #tpu.memory_space<hbm>>) target_semaphore(%run_scoped3A : memref<!tpu.dma_semaphore, #tpu.memory_space<semaphore_mem>>)
        %dma_wait3A_336 = arith.constant 0 : i32
        %dma_wait3A_337 = tpu.memref_slice %arg5[%arg0, %mul3A_324, %dma_wait3A_336] : memref<2x10000x128xf32, #tpu.memory_space<hbm>> -> memref<1x624x128xf32, #tpu.memory_space<hbm>>
        %dma_wait3A_338 = tpu.memref_squeeze %dma_wait3A_337 : memref<1x624x128xf32, #tpu.memory_space<hbm>> -> memref<624x128xf32, #tpu.memory_space<hbm>>
        %dma_wait3A_339 = arith.constant 0 : i32
        %dma_wait3A_340 = tpu.memref_slice %arg9[%mul3A_324, %dma_wait3A_339] : memref<10240x128xf32, #tpu.memory_space<vmem_shared>> -> memref<624x128xf32, #tpu.memory_space<vmem_shared>>
        tpu.wait_dma2 semaphore(%run_scoped3A : memref<!tpu.dma_semaphore, #tpu.memory_space<semaphore_mem>>) src(%dma_wait3A_340 : memref<624x128xf32, #tpu.memory_space<vmem_shared>>) dst(%dma_wait3A_338 : memref<624x128xf32, #tpu.memory_space<hbm>>)
        tpu.yield
      }) : () -> ()
    } else {
    }
    %eq3A = arith.constant 15 : i32
    %eq3A_327 = arith.cmpi eq, %arg1, %eq3A : i32
    %convert_element_type3A_328 = arith.extui %eq3A_327 : i1 to i32
    %cond3A_329 = arith.constant 0 : i32
    %cond3A_330 = arith.cmpi ne, %convert_element_type3A_328, %cond3A_329 : i32
    scf.if %cond3A_330 {
      "tpu.region"() ({
        %run_scoped3A = tpu.sem_alloc : memref<!tpu.dma_semaphore, #tpu.memory_space<semaphore_mem>>
        %dma_start3A_331 = arith.constant 9360 : i32
        %dma_start3A_332 = arith.constant 0 : i32
        %dma_start3A_333 = tpu.memref_slice %arg5[%arg0, %dma_start3A_331, %dma_start3A_332] : memref<2x10000x128xf32, #tpu.memory_space<hbm>> -> memref<1x640x128xf32, #tpu.memory_space<hbm>>
        %dma_start3A_334 = tpu.memref_squeeze %dma_start3A_333 : memref<1x640x128xf32, #tpu.memory_space<hbm>> -> memref<640x128xf32, #tpu.memory_space<hbm>>
        %dma_start3A_335 = arith.constant 9360 : i32
        %dma_start3A_336 = arith.constant 0 : i32
        %dma_start3A_337 = tpu.memref_slice %arg9[%dma_start3A_335, %dma_start3A_336] : memref<10240x128xf32, #tpu.memory_space<vmem_shared>> -> memref<640x128xf32, #tpu.memory_space<vmem_shared>>
        tpu.enqueue_dma source(%dma_start3A_337 : memref<640x128xf32, #tpu.memory_space<vmem_shared>>) target(%dma_start3A_334 : memref<640x128xf32, #tpu.memory_space<hbm>>) target_semaphore(%run_scoped3A : memref<!tpu.dma_semaphore, #tpu.memory_space<semaphore_mem>>)
        %dma_wait3A_338 = arith.constant 9360 : i32
        %dma_wait3A_339 = arith.constant 0 : i32
        %dma_wait3A_340 = tpu.memref_slice %arg5[%arg0, %dma_wait3A_338, %dma_wait3A_339] : memref<2x10000x128xf32, #tpu.memory_space<hbm>> -> memref<1x640x128xf32, #tpu.memory_space<hbm>>
        %dma_wait3A_341 = tpu.memref_squeeze %dma_wait3A_340 : memref<1x640x128xf32, #tpu.memory_space<hbm>> -> memref<640x128xf32, #tpu.memory_space<hbm>>
        %dma_wait3A_342 = arith.constant 9360 : i32
        %dma_wait3A_343 = arith.constant 0 : i32
        %dma_wait3A_344 = tpu.memref_slice %arg9[%dma_wait3A_342, %dma_wait3A_343] : memref<10240x128xf32, #tpu.memory_space<vmem_shared>> -> memref<640x128xf32, #tpu.memory_space<vmem_shared>>
        tpu.wait_dma2 semaphore(%run_scoped3A : memref<!tpu.dma_semaphore, #tpu.memory_space<semaphore_mem>>) src(%dma_wait3A_344 : memref<640x128xf32, #tpu.memory_space<vmem_shared>>) dst(%dma_wait3A_341 : memref<640x128xf32, #tpu.memory_space<hbm>>)
        tpu.yield
      }) : () -> ()
    } else {
    }
    return
  }
}

</mosaic_0001>

<sc_bundles>
// kernel: _sc_scatter.3.cloned.1.call-start
scs
__scs_entry_jumppad:
0x0: {  	(pc) =	sbr.rel $0x88, $3  }
0x1: {  	(tag) =	ssettag $0x0;
	lr =	simm.s32 $0x1  }
0x2: {  	[smem:$0x3F9E] =	sst lr;
	_ =	strace $0xD0000000  }
0x3: {  	_ = 	snop  }
0x4: {  	_ = 	snop  }
0x5: {  	_ = 	snop  }
0x6: {  	_ = 	snop  }
0x7: {  	_ = 	snop  }
__scs_overlays_trampoline_lowered:
0x8: {  	[smem:$0x3FAD] =	sst s0  }
0x9: {  	[smem:$0x3FAE] =	sst s1  }
0xa: {  	[smem:$0x3FAF] =	sst s2  }
0xb: {  	[smem:$0x3FB0] =	sst s3  }
0xc: {  	[smem:$0x3FB1] =	sst s4  }
0xd: {  	[smem:$0x3FB2] =	sst s5  }
0xe: {  	[smem:$0x3FB3] =	sst s6  }
0xf: {  	[smem:$0x3FB4] =	sst s7  }
0x10: {  	[smem:$0x3FB5] =	sst s8  }
0x11: {  	[smem:$0x3FB6] =	sst s9;
	s0 =	simm.s32 @!p0 $0x0  }
0x12: {  	s1 =	sld [smem:$0x3F9C];
	s0 =	simm.s32 @p0 $0x1  }
0x13: {  	[smem:$0x3FB7] =	sst s0;
	s0 =	simm.s32 @!p1 $0x0  }
0x14: {  	s2 =	sld [smem:$0x3F9B];
	s0 =	simm.s32 @p1 $0x1  }
0x15: {  	[smem:$0x3FB8] =	sst s0;
	s0 =	simm.s32 @!p2 $0x0  }
0x16: {  	s3 =	sld [smem:$0x3FDB];
	s0 =	simm.s32 @p2 $0x1  }
0x17: {  	s4 =	simm.s32 $0x1BF5;
	[smem:$0x3FBA] =	sst s0  }
0x18: {  	s0 =	sld [smem:$0x3F9D];
	_ =	swait.ge [sflag:s4], $0x0  }
0x19: {  	s7 =	sld [smem:$0x3F9E]  }
0x1a: {  	s8 =	sadd.s32 $0xFFFFE003, lr  }
0x1b: {  	s9 =	sadd.s32 $0xFFFFFEF7, lr;
	s5 =	simm.s32 $0xFFFFFFFF;
	p2 =	slt.u32 s8, $0xFFFFF086  }
0x1c: {  	p1 =	slt.u32 s9, $0xF7A;
	s5 =	simm.s32 @!p2 $0x0  }
0x1d: {  	s5 =	simm.s32 @p1 $0x1;
	p0 =	seq.s32 s7, s2  }
0x1e: {  	s7 =	smul.u32 @!p0 $0xF7A, s2;
	p2 =	seq.s32 @!p0 s5, $0x0  }
0x1f: {  	s9 =	smul.u32 $0xF7A, s1;
	s8 =	simm.s32 @!p0 $0x1BF5;
	p2 =	por !p2, p0  }
0x20: {  	[sflag:s8] =	ssyncset.s32 @!p0 $0xFFFFF086;
	s6 =	sadd.s32 @!p0 s3, s7;
	s7 =	simm.s32 @!p0 $0x108  }
0x21: {  	s3 =	sadd.s32 s3, s9;
	s6 =	sadd.s32 @!p0 $0x88, s6;
	s7 =	simm.s32 @p2 $0x1082  }
0x22: {  	[simem:s7], [sflag:s8] =	dma.local @!p0 [hbm:s6], $0xF7A  }
0x23: {  	s9 =	sor.u32 $0xD0000000, s2;
	s6 =	simm.s32 $0x108;
	_ =	swait.ge @!p0 [sflag:s8], $0x0  }
0x24: {  	s3 =	sadd.s32 $0x88, s3;
	s6 =	simm.s32 @!p1 $0x1082;
	[sflag:s4] =	ssyncset.s32 $0xFFFFF086  }
0x25: {  	[simem:s6], [sflag:s4] =	dma.local [hbm:s3], $0xF7A  }
0x26: {  	[smem:$0x3F9E] =	sst s1;
	(tag) =	ssettag s2;
	_ =	strace s9  }
0x27: {  	s1 =	sld [smem:$0x3FAE]  }
0x28: {  	s2 =	sld [smem:$0x3FAF]  }
0x29: {  	s4 =	sld [smem:$0x3FB1]  }
0x2a: {  	p0 =	seq.s32 s5, $0x0;
	s5 =	sld [smem:$0x3FB2]  }
0x2b: {  	s6 =	sld [smem:$0x3FB3]  }
0x2c: {  	s7 =	sld [smem:$0x3FB4]  }
0x2d: {  	s3 =	simm.s32 $0x108;
	s8 =	sld [smem:$0x3FB5]  }
0x2e: {  	s3 =	simm.s32 @!p0 $0x1082;
	s9 =	sld [smem:$0x3FB6]  }
0x2f: {  	lr =	sadd.s32 s0, s3;
	s0 =	sld [smem:$0x3FAD]  }
0x30: {  	s3 =	sld [smem:$0x3FB0]  }
0x31: {  	[smem:$0x3FB9] =	sst s10  }
0x32: {  	s10 =	sld [smem:$0x3FB7];
	_ =	sdelay $0x3  }
0x33: {  	p0 =	seq.s32 s10, $0x1;
	s10 =	sld [smem:$0x3FB9];
	_ =	sdelay $0x3  }
0x34: {  	[smem:$0x3FB9] =	sst s10  }
0x35: {  	s10 =	sld [smem:$0x3FB8];
	_ =	sdelay $0x3  }
0x36: {  	p1 =	seq.s32 s10, $0x1;
	s10 =	sld [smem:$0x3FB9];
	_ =	sdelay $0x3  }
0x37: {  	[smem:$0x3FB9] =	sst s10  }
0x38: {  	s10 =	sld [smem:$0x3FBA]  }
0x39: {  	_ = 	snop;
	(pc) =	sbr.ind lr, $3  }
0x3a: {  	_ = 	snop  }
0x3b: {  	_ = 	snop  }
0x3c: {  	p2 =	seq.s32 s10, $0x1;
	s10 =	sld [smem:$0x3FB9]  }
0x3d: {  	_ =	shalt  }
0x3e: {  	_ =	shalt  }
0x3f: {  	_ =	shalt  }
0x40: {  	_ =	shalt  }
0x41: {  	_ =	shalt  }
0x42: {  	_ =	shalt  }
0x43: {  	_ =	shalt  }
0x44: {  	_ =	shalt  }
0x45: {  	_ =	shalt  }
0x46: {  	_ =	shalt  }
0x47: {  	_ =	shalt  }
0x48: {  	_ =	shalt  }
0x49: {  	_ =	shalt  }
0x4a: {  	_ =	shalt  }
0x4b: {  	_ =	shalt  }
0x4c: {  	_ =	shalt  }
0x4d: {  	_ =	shalt  }
0x4e: {  	_ =	shalt  }
0x4f: {  	_ =	shalt  }
0x50: {  	_ =	shalt  }
0x51: {  	_ =	shalt  }
0x52: {  	_ =	shalt  }
0x53: {  	_ =	shalt  }
0x54: {  	_ =	shalt  }
0x55: {  	_ =	shalt  }
0x56: {  	_ =	shalt  }
0x57: {  	_ =	shalt  }
0x58: {  	_ =	shalt  }
0x59: {  	_ =	shalt  }
0x5a: {  	_ =	shalt  }
0x5b: {  	_ =	shalt  }
0x5c: {  	_ =	shalt  }
0x5d: {  	_ =	shalt  }
0x5e: {  	_ =	shalt  }
0x5f: {  	_ =	shalt  }
0x60: {  	_ =	shalt  }
0x61: {  	_ =	shalt  }
0x62: {  	_ =	shalt  }
0x63: {  	_ =	shalt  }
0x64: {  	_ =	shalt  }
0x65: {  	_ =	shalt  }
0x66: {  	_ =	shalt  }
0x67: {  	_ =	shalt  }
0x68: {  	_ =	shalt  }
0x69: {  	_ =	shalt  }
0x6a: {  	_ =	shalt  }
0x6b: {  	_ =	shalt  }
0x6c: {  	_ =	shalt  }
0x6d: {  	_ =	shalt  }
0x6e: {  	_ =	shalt  }
0x6f: {  	_ =	shalt  }
0x70: {  	_ =	shalt  }
0x71: {  	_ =	shalt  }
0x72: {  	_ =	shalt  }
0x73: {  	_ =	shalt  }
0x74: {  	_ =	shalt  }
0x75: {  	_ =	shalt  }
0x76: {  	_ =	shalt  }
0x77: {  	_ =	shalt  }
0x78: {  	_ =	shalt  }
0x79: {  	_ =	shalt  }
0x7a: {  	_ =	shalt  }
0x7b: {  	_ =	shalt  }
0x7c: {  	_ =	shalt  }
0x7d: {  	_ =	shalt  }
0x7e: {  	_ =	shalt  }
0x7f: {  	_ =	shalt  }
0x80: {  	_ =	shalt  }
0x81: {  	_ =	shalt  }
0x82: {  	_ =	shalt  }
0x83: {  	_ =	shalt  }
0x84: {  	_ =	shalt  }
0x85: {  	_ =	shalt  }
0x86: {  	_ =	shalt  }
0x87: {  	_ =	shalt  }
.Lfunc_end0:
.L_simem_size_0:
called_computation_lowered:
.L_overlay_start_0:
0x88: {  	s2 =	sld [smem:$0x3FD9]  }
0x89: {  	s3 =	sld [smem:$0x3FFE];
	_ =	sdelay $0x1  }
0x8a: {  	s1 =	srdreg.scid  }
0x8b: {  	s0 =	sand.u32 $0x1, s1  }
0x8c: {  	s18 =	sshll.u32 s0, $0xA;
	s2 =	sadd.s32 s3, s2  }
0x8d: {  	s2 =	sadd.s32 s2, s18  }
0x8e: {  	[smem:$0x3FC5] =	sst s2  }
0x8f: {  	_ = 	snop  }
0x90: {  	s2 =	sld [smem:$0x3FC9]  }
0x91: {  	s19 =	sld [smem:$0x3FC8]  }
0x92: {  	s4 =	sld [smem:$0x3FC7]  }
0x93: {  	s5 =	sld [smem:$0x3FD0];
	(tm) =	ssettm $0x1  }
0x94: {  	s6 =	sld [smem:$0x3FFB];
	_ =	sdelay $0x3  }
0x95: {  	_ =	strace s6  }
0x96: {  	s6 =	sld [smem:$0x3FFC];
	_ =	sdelay $0x3  }
0x97: {  	_ =	strace s6  }
0x98: {  	s6 =	sld [smem:$0x3FFD];
	_ =	sdelay $0x3  }
0x99: {  	_ =	strace s6  }
0x9a: {  	_ =	strace $0x8FFFFFFF  }
0x9b: {  	s20 =	sld [smem:$0x3FDB];
	_ =	sdelay $0x1  }
0x9c: {  	s7 =	simm.s32 $_scs_section_size  }
0x9d: {  	s8 =	simm.s32 $_size__tile_overlayer_lowered;
	s9 =	simm.s32 $_tile_overlayer_lowered  }
0x9e: {  	s23 =	simm.s32 $0x1BFF;
	s22 =	sshll.u32 s9, $0x1;
	s6 =	sadd.s32 s7, s20  }
0x9f: {  	s10 =	simm.s32 $0x0;
	s21 =	sshll.u32 s8, $0x1;
	s8 =	sadd.s32 s22, s6  }
0xa0: {  	[timem:s10], [sflag:s23] =	dma.local [hbm:s8], s21  }
0xa1: {  	_ =	swait.ge [sflag:s23], s21  }
0xa2: {  	s7 =	ssub.s32 $0x0, s21;
	[sflag:s23] =	ssyncset.done $0x0  }
0xa3: {  	[sflag:s23] =	ssyncadd.s32 s7;
	_ =	sdelay $0x1  }
0xa4: {  	s24 =	simm.s32 $0x1B8B  }
0xa5: {  	_ =	swait.ge [sflag:s24], $0x1  }
0xa6: {  	[sflag:s24] =	ssyncset.done $0x0  }
0xa7: {  	s25 =	simm.s32 $0x1B8E;
	[sflag:s24] =	ssyncadd.s32 $0xFFFFFFFF  }
0xa8: {  	s26 =	simm.s32 $execute0_lowered;
	[smem:$0x3FD2] =	sst s25  }
0xa9: {  	s7 =	sshll.u32 s26, $0x1;
	_ =	strace $0x80000046;
	[dreg:$0x1] =	wrdreg $0xFFFFFFFF  }
0xaa: {  	s28 =	simm.s32 $_size_execute0_lowered;
	s6 =	sadd.s32 s6, s7;
	[dreg:$0x0] =	wrdreg $0x0  }
0xab: {  	s7 =	sshll.u32 s28, $0x1;
	[dreg:$0x2] =	wrdreg s6  }
0xac: {  	[dreg:$0x3] =	wrdreg s7  }
0xad: {  	[dreg:$0x4] =	wrdreg $0xC0  }
0xae: {  	_ =	task [dreg:s10], $0x5FFFF  }
0xaf: {  	[dreg:$0x1] =	wrdreg $0xFFFFFFFF  }
0xb0: {  	[dreg:$0x0] =	wrdreg $0x60  }
0xb1: {  	[dreg:$0x2] =	wrdreg s2  }
0xb2: {  	[dreg:$0x3] =	wrdreg s19  }
0xb3: {  	[dreg:$0x4] =	wrdreg s4  }
0xb4: {  	[dreg:$0x5] =	wrdreg s5  }
0xb5: {  	[dreg:$0x6] =	wrdreg $0xA8000  }
0xb6: {  	[dreg:$0x7] =	wrdreg $0x9  }
0xb7: {  	_ =	task.clear_ibuf [dreg:s10], $0x8FFFF;
	_ =	strace $0x90000046  }
0xb8: {  	s29 =	simm.s32 $0x9;
	_ =	strace $0x80000048  }
0xb9: {  	_ =	swait.ge [sflag:s29], $0x1  }
0xba: {  	[sflag:s29] =	ssyncadd.s32 $0xFFFFFFFF  }
0xbb: {  	_ =	strace $0x90000048  }
0xbc: {  	_ =	sfence  }
0xbd: {  	s30 =	sld [smem:$0x0];
	_ =	sdelay $0x2  }
0xbe: {  	s31 =	sshll.u32 s1, $0xD;
	s1 =	sshrl.u32 s1, $0x2  }
0xbf: {  	s3 =	sand.u32 $0x4000, s31;
	s1 =	sadd.s32 s1, s30  }
0xc0: {  	s0 =	sor.u32 s3, s0;
	s1 =	sshll.u32 s1, $0x11  }
0xc1: {  	s0 =	sor.u32 s1, s0  }
0xc2: {  	s0 =	sadd.s32 $0x8F2B, s0  }
0xc3: {  	[sflag:s0] =	ssyncadd.remote.s32 $0x1  }
0xc4: {  	_ =	sfence.sel $0xFFFF  }
0xc5: {  	[dreg:$0x0] =	wrdreg $0xFFFFFFFF;
	(pc) =	sbr.abs _section_cstart, $3  }
0xc6: {  	[dreg:$0x1] =	wrdreg $0xFFFFFFFF  }
0xc7: {  	_ =	task.clear_ibuf [dreg:s10], $0x2FFFF;
	_ =	strace $0x9FFFFFFF  }
0xc8: {  	(tm) =	ssettm $0x7FFFFFFF  }
0xc9: {  	_ =	shalt  }
tec
execute0_lowered:
.L_overlay_start_1:
0x0: {  	(tag) =	ssettag $0x1  }
0x1: {  	s0 =	rddreg [dreg:$0x0]  }
0x2: {  	s1 =	rddreg [dreg:$0x1]  }
0x3: {  	s4 =	rddreg [dreg:$0x2]  }
0x4: {  	s2 =	srdreg.scid;
	s5 =	rddreg [dreg:$0x3]  }
0x5: {  	s10 =	stileid.u32;
	s3 =	rddreg [dreg:$0x4];
	s7 =	simm.s32 $0x0  }
0x6: {  	s28 =	simm.s32 $0x5800;
	s29 =	simm.s32 $0x1;
	s8 =	smul.u32 $0x50000, s10  }
0x7: {  	s30 =	simm.s32 $0x80;
	s31 =	simm.s32 $0x6800;
	s23 =	smul.u32 $0x13800, s10  }
0x8: {  	s2 =	sand.u32 $0x1, s2;
	[smem:$0x7FF] =	sst s7;
	s24 =	smul.u32 $0x4E000, s10  }
0x9: {  	p0 =	seq.s32 s10, $0xF;
	s6 =	sshll.u32 s2, $0x4;
	s16 =	ssub.s32 $0x2, s2  }
0xa: {  	_ =	strace $0x80000047;
	s2 =	smul.u32 $0x138800, s2;
	s6 =	sor.u32 s10, s6  }
0xb: {  	s9 =	sshrl.u32 s16, $0x1;
	s17 =	sshrl.u32 s8, $0x2;
	s8 =	simm.s32 $0x9800  }
0xc: {  	s10 =	simm.s32 $0x4;
	s6 =	smul.u32 $0x2800, s6;
	s9 =	ssub.s32 s16, s9  }
0xd: {  	s7 =	sadd.s32 s17, s3;
	s25 =	sadd.s32 s23, s2;
	s2 =	sshrl.u32 s2, $0x3  }
0xe: {  	s17 =	simm.s32 $0x1400;
	s23 =	simm.s32 $0x4800;
	s20 =	sadd.s32 $0x4000, s7  }
0xf: {  	s21 =	sadd.s32 $0x8000, s7;
	s22 =	sadd.s32 $0xC000, s7;
	[dreg:$0x8] =	wrdreg s20  }
0x10: {  	s11 =	sadd.s32 $0x10000, s7;
	s2 =	sadd.s32 s5, s2;
	[dreg:$0x9] =	wrdreg s21  }
0x11: {  	s26 =	smax.u32 s9, $0x1;
	s9 =	simm.s32 $0x2;
	[dreg:$0xa] =	wrdreg s22  }
0x12: {  	s6 =	sshrl.u32 s6, $0x3;
	[dreg:$0xb] =	wrdreg s11;
	s2 =	sadd.s32 $0x24900, s2  }
0x13: {  	[dreg:$0x10] =	wrdreg s26;
	s20 =	simm.s32 $0x20;
	s26 =	simm.s32 $0x60  }
0x14: {  	s11 =	simm.s32 $0x0;
	s18 =	sadd.s32 s1, s6;
	[dreg:$0xf] =	wrdreg s2  }
0x15: {  	s19 =	sadd.s32 s4, s6;
	s6 =	sadd.s32 $0x280, s6;
	[dreg:$0x6] =	wrdreg s18  }
0x16: {  	s2 =	sadd.s32 $0x124800, s3;
	[dreg:$0x7] =	wrdreg s19;
	s1 =	sadd.s32 s1, s6  }
0x17: {  	s4 =	sadd.s32 s4, s6;
	s18 =	simm.s32 $0x2800;
	s19 =	simm.s32 $0x3  }
.Ltmp0:
0x18: {  	s6 =	simm.s32 $0xE0;
	[dreg:$0xc] =	wrdreg s1;
	(pc) =	sbr.rel .LBB2_1-.Ltmp0, $4  }
0x19: {  	[dreg:$0xd] =	wrdreg s4;
	s4 =	sshrl.u32 s25, $0x3;
	s1 =	sshrl.u32 s24, $0x2  }
0x1a: {  	s24 =	sshrl.u32 @p0 s2, $0x3;
	s2 =	simm.s32 $0xA0;
	s4 =	sadd.s32 s5, s4  }
0x1b: {  	s1 =	sadd.s32 s1, s3;
	s5 =	simm.s32 $0x8800;
	[dreg:$0xe] =	wrdreg s4  }
0x1c: {  	v0 =	vimm.f32 $0.0e+00;
	s25 =	sshrl.u32 @!p0 s1, $0x3;
	s1 =	simm.s32 $0x7800;
	s4 =	simm.s32 $0xC0  }
.LBB2_9:
0x1d: {  	s12 =	simm.s32 $0x2780  }
0x1e: {  	[spmem:s3] =	stream.indirect.scatter.add.f32 [tilespmem:s31], [sflag:$0x2], $0x80, s12, s30, $0xb8;
	[tilespmem:$0x1E800] =	vst v63  }
.LBB2_11:
0x1f: {  	_ =	swait.ge [sflag:s9], $0x4000  }
0x20: {  	[sflag:s9] =	ssyncset.done $0x0  }
0x21: {  	[sflag:s9] =	ssyncadd.s32 $0xFFFFC000  }
0x22: {  	[bflag:$0x0] =	sbarrier.arrive $0xFFFF  }
0x23: {  	s12 =	simm.s32 @p0 $0x1FC4;
	s13 =	rddreg [dreg:$0xf]  }
0x24: {  	[hbm:s13], [sflag:s12] =	dma.local @p0 [spmem:s24], $0x2800  }
0x25: {  	s12 =	simm.s32 @p0 $0x4  }
0x26: {  	s13 =	stileid.u32;
	_ =	swait.ge @p0 [sflag:s12], $0x2800  }
0x27: {  	s13 =	sshll.u32 @!p0 s13, $0x6;
	[sflag:s12] =	ssyncset.done @p0 $0x0  }
0x28: {  	[sflag:s12] =	ssyncadd.s32 @p0 $0xFFFFD800;
	s12 =	sor.u32 @!p0 $0x1C04, s13;
	s13 =	rddreg [dreg:$0xe]  }
0x29: {  	[hbm:s13], [sflag:s12] =	dma.local @!p0 [spmem:s25], $0x2700  }
0x2a: {  	s12 =	simm.s32 @!p0 $0x4  }
0x2b: {  	_ =	swait.ge @!p0 [sflag:s12], $0x2700  }
0x2c: {  	s11 =	sadd.s32 $0x1, s11;
	s22 =	rddreg [dreg:$0x10]  }
0x2d: {  	p1 =	sne.s32 s11, s22  }
.Ltmp1:
0x2e: {  	_ = 	snop;
	(pc) =	sbr.rel @!p1 .LBB2_12-.Ltmp1, $3  }
0x2f: {  	_ =	sdelay $0x1  }
0x30: {  	[sflag:s12] =	ssyncset.done @!p0 $0x0  }
0x31: {  	[sflag:s12] =	ssyncadd.s32 @!p0 $0xFFFFD900  }
.LBB2_1:
0x32: {  	s12 =	simm.s32 $0x0;
	s13 =	rddreg [dreg:$0x6]  }
0x33: {  	[tilespmem:s12], [sflag:$0x3] =	stream.linear.gather [hbm4b:s13+s12], $0x1400, $0x38;
	[tilespmem:$0x1E800] =	vst v63  }
0x34: {  	s22 =	rddreg [dreg:$0x7]  }
0x35: {  	[tilespmem:s17], [sflag:$0x3] =	stream.linear.gather [hbm4b:s22+s12], $0x1400, $0x38;
	[tilespmem:$0x1E800] =	vst v63  }
0x36: {  	s13 =	simm.s32 $0x200;
	s12 =	simm.s32 $0x0  }
.LBB2_2:
0x37: {  	p1 =	sne.s32 s13, $0xFE00;
	[tilespmem:s12+$0x2870] =	vst v0  }
0x38: {  	[tilespmem:s12+$0x2800] =	vst v0  }
0x39: {  	[tilespmem:s12+$0x2810] =	vst v0  }
.Ltmp2:
0x3a: {  	[tilespmem:s12+$0x2820] =	vst v0;
	(pc) =	sbr.rel @p1 .LBB2_2-.Ltmp2, $4  }
0x3b: {  	[tilespmem:s12+$0x2830] =	vst v0  }
0x3c: {  	[tilespmem:s12+$0x2840] =	vst v0  }
0x3d: {  	[tilespmem:s12+$0x2850] =	vst v0  }
0x3e: {  	[tilespmem:s12+$0x2860] =	vst v0;
	s12 =	sshra.s32 s13, $0x2;
	s13 =	sadd.s32 $0x200, s13  }
0x3f: {  	[tilespmem:s12+$0x2870] =	vst v0  }
0x40: {  	[tilespmem:s12+$0x2800] =	vst v0  }
0x41: {  	[tilespmem:s12+$0x2810] =	vst v0  }
0x42: {  	[tilespmem:s12+$0x2820] =	vst v0  }
0x43: {  	[tilespmem:s12+$0x2830] =	vst v0  }
0x44: {  	[tilespmem:s12+$0x2840] =	vst v0  }
0x45: {  	[tilespmem:s12+$0x2850] =	vst v0  }
0x46: {  	[tilespmem:s12+$0x2860] =	vst v0  }
0x47: {  	[spmem:s7] =	stream.linear.scatter [tilespmem:s18], [sflag:$0x3], $0x4000, $0x38;
	[tilespmem:$0x1E800] =	vst v63  }
0x48: {  	s14 =	rddreg [dreg:$0x8]  }
0x49: {  	[spmem:s14] =	stream.linear.scatter [tilespmem:s18], [sflag:$0x3], $0x4000, $0x38;
	[tilespmem:$0x1E800] =	vst v63  }
0x4a: {  	s15 =	rddreg [dreg:$0x9]  }
0x4b: {  	[spmem:s15] =	stream.linear.scatter [tilespmem:s18], [sflag:$0x3], $0x4000, $0x38;
	[tilespmem:$0x1E800] =	vst v63  }
0x4c: {  	s16 =	rddreg [dreg:$0xa]  }
0x4d: {  	[spmem:s16] =	stream.linear.scatter [tilespmem:s18], [sflag:$0x3], $0x4000, $0x38;
	[tilespmem:$0x1E800] =	vst v63  }
0x4e: {  	s21 =	rddreg [dreg:$0xb]  }
0x4f: {  	[spmem:s21] =	stream.linear.scatter [tilespmem:s18], [sflag:$0x3], $0x4000, $0x38;
	[tilespmem:$0x1E800] =	vst v63  }
0x50: {  	_ =	swait.ge [sflag:s19], $0x4000  }
0x51: {  	[sflag:s19] =	ssyncset.done $0x0  }
0x52: {  	[sflag:s19] =	ssyncadd.s32 $0xFFFFC000  }
0x53: {  	_ =	swait.ge [sflag:s19], $0x4000  }
0x54: {  	[sflag:s19] =	ssyncset.done $0x0  }
0x55: {  	[sflag:s19] =	ssyncadd.s32 $0xFFFFC000  }
0x56: {  	_ =	swait.ge [sflag:s19], $0x4000  }
0x57: {  	[sflag:s19] =	ssyncset.done $0x0  }
0x58: {  	[sflag:s19] =	ssyncadd.s32 $0xFFFFC000  }
0x59: {  	_ =	swait.ge [sflag:s19], $0x4000  }
0x5a: {  	[sflag:s19] =	ssyncset.done $0x0  }
0x5b: {  	[sflag:s19] =	ssyncadd.s32 $0xFFFFC000  }
0x5c: {  	_ =	swait.ge [sflag:s19], $0x4000  }
0x5d: {  	[sflag:s19] =	ssyncset.done $0x0  }
0x5e: {  	[sflag:s19] =	ssyncadd.s32 $0xFFFFC000  }
0x5f: {  	_ =	swait.ge [sflag:s19], $0x1400  }
0x60: {  	[sflag:s19] =	ssyncset.done $0x0  }
0x61: {  	[sflag:s19] =	ssyncadd.s32 $0xFFFFEC00  }
0x62: {  	_ =	swait.ge [sflag:s19], $0x1400  }
0x63: {  	[sflag:s19] =	ssyncset.done $0x0  }
0x64: {  	[sflag:s19] =	ssyncadd.s32 $0xFFFFEC00  }
0x65: {  	s12 =	simm.s32 $0x0;
	[bflag:$0x0] =	sbarrier.arrive $0xFFFF  }
0x66: {  	[tilespmem:s18], [sflag:$0x1] =	stream.indirect.gather [hbm4b:s0+s20], $0x80, s12, s20, $0xb8;
	[tilespmem:$0x1E800] =	vst v63  }
0x67: {  	s13 =	simm.s32 $0x3800  }
0x68: {  	[tilespmem:s13], [sflag:$0x1] =	stream.indirect.gather [hbm4b:s0+s20], $0x80, s20, s20, $0xb8;
	[tilespmem:$0x1E800] =	vst v63  }
0x69: {  	s22 =	simm.s32 $0x40  }
0x6a: {  	[tilespmem:s23], [sflag:$0x1] =	stream.indirect.gather [hbm4b:s0+s20], $0x80, s22, s20, $0xb8;
	[tilespmem:$0x1E800] =	vst v63  }
0x6b: {  	_ = 	snop  }
0x6c: {  	[tilespmem:s28], [sflag:$0x1] =	stream.indirect.gather [hbm4b:s0+s20], $0x80, s26, s20, $0xb8;
	[tilespmem:$0x1E800] =	vst v63  }
0x6d: {  	_ =	swait.ge [sflag:s29], $0x1000  }
0x6e: {  	[sflag:s29] =	ssyncset.done $0x0  }
0x6f: {  	[sflag:s29] =	ssyncadd.s32 $0xFFFFF000  }
0x70: {  	_ =	swait.ge [sflag:s29], $0x1000  }
0x71: {  	[sflag:s29] =	ssyncset.done $0x0  }
0x72: {  	[sflag:s29] =	ssyncadd.s32 $0xFFFFF000  }
0x73: {  	_ =	swait.ge [sflag:s29], $0x1000  }
0x74: {  	[sflag:s29] =	ssyncset.done $0x0  }
0x75: {  	[sflag:s29] =	ssyncadd.s32 $0xFFFFF000  }
0x76: {  	_ =	swait.ge [sflag:s29], $0x1000  }
0x77: {  	[sflag:s29] =	ssyncset.done $0x0  }
0x78: {  	[sflag:s29] =	ssyncadd.s32 $0xFFFFF000  }
0x79: {  	[tilespmem:s31], [sflag:$0x1] =	stream.indirect.gather [hbm4b:s0+s20], $0x80, s30, s20, $0xb8;
	[tilespmem:$0x1E800] =	vst v63  }
0x7a: {  	_ = 	snop  }
0x7b: {  	[tilespmem:s1], [sflag:$0x1] =	stream.indirect.gather [hbm4b:s0+s20], $0x80, s2, s20, $0xb8;
	[tilespmem:$0x1E800] =	vst v63  }
0x7c: {  	_ = 	snop  }
0x7d: {  	[tilespmem:s5], [sflag:$0x1] =	stream.indirect.gather [hbm4b:s0+s20], $0x80, s4, s20, $0xb8;
	[tilespmem:$0x1E800] =	vst v63  }
0x7e: {  	_ = 	snop  }
0x7f: {  	[tilespmem:s8], [sflag:$0x1] =	stream.indirect.gather [hbm4b:s0+s20], $0x80, s6, s20, $0xb8;
	[tilespmem:$0x1E800] =	vst v63  }
0x80: {  	s14 =	simm.s32 $0x10000;
	s13 =	simm.s32 $0x8000  }
0x81: {  	[spmem:s3] =	stream.indirect.scatter.add.f32 [tilespmem:s18], [sflag:$0x2], $0x80, s17, s30, $0xb8;
	[tilespmem:$0x1E800] =	vst v63  }
.LBB2_4:
0x82: {  	_ =	swait.ge [sflag:s29], $0x1000  }
0x83: {  	[sflag:s29] =	ssyncset.done $0x0  }
0x84: {  	[sflag:s29] =	ssyncadd.s32 $0xFFFFF000  }
0x85: {  	_ =	swait.ge [sflag:s29], $0x1000  }
0x86: {  	[sflag:s29] =	ssyncset.done $0x0  }
0x87: {  	[sflag:s29] =	ssyncadd.s32 $0xFFFFF000  }
0x88: {  	_ =	swait.ge [sflag:s29], $0x1000  }
0x89: {  	[sflag:s29] =	ssyncset.done $0x0  }
0x8a: {  	[sflag:s29] =	ssyncadd.s32 $0xFFFFF000  }
0x8b: {  	p1 =	sne.s32 s12, $0x4C00;
	_ =	swait.ge [sflag:s29], $0x1000  }
.Ltmp3:
0x8c: {  	[sflag:s29] =	ssyncset.done $0x0;
	(pc) =	sbr.rel @!p1 .LBB2_5-.Ltmp3, $4  }
0x8d: {  	[sflag:s29] =	ssyncadd.s32 $0xFFFFF000  }
0x8e: {  	_ =	swait.ge [sflag:s9], $0x4000  }
0x8f: {  	[sflag:s9] =	ssyncset.done $0x0  }
0x90: {  	[sflag:s9] =	ssyncadd.s32 $0xFFFFC000  }
0x91: {  	s15 =	sand.u32 $0x4000, s13;
	s16 =	sshra.s32 s12, $0x2  }
0x92: {  	s21 =	sor.u32 $0x2800, s15;
	s22 =	sadd.s32 $0x100, s16  }
0x93: {  	[tilespmem:s21], [sflag:$0x1] =	stream.indirect.gather [hbm4b:s0+s20], $0x80, s22, s20, $0xb8;
	[tilespmem:$0x1E800] =	vst v63  }
0x94: {  	s21 =	sor.u32 $0x3800, s15;
	s22 =	sadd.s32 $0x120, s16  }
0x95: {  	[tilespmem:s21], [sflag:$0x1] =	stream.indirect.gather [hbm4b:s0+s20], $0x80, s22, s20, $0xb8;
	[tilespmem:$0x1E800] =	vst v63  }
0x96: {  	s12 =	sadd.s32 $0x200, s12;
	s21 =	sadd.s32 $0x4800, s15;
	s22 =	sadd.s32 $0x140, s16  }
0x97: {  	[tilespmem:s21], [sflag:$0x1] =	stream.indirect.gather [hbm4b:s0+s20], $0x80, s22, s20, $0xb8;
	[tilespmem:$0x1E800] =	vst v63  }
0x98: {  	p1 =	sne.s32 s12, $0x4E00;
	s15 =	sadd.s32 $0x5800, s15;
	s22 =	sadd.s32 $0x160, s16  }
0x99: {  	[tilespmem:s15], [sflag:$0x1] =	stream.indirect.gather [hbm4b:s0+s20], $0x80, s22, s20, $0xb8;
	[tilespmem:$0x1E800] =	vst v63  }
.Ltmp4:
0x9a: {  	_ = 	snop;
	(pc) =	sbr.rel @p1 .LBB2_4-.Ltmp4, $4  }
.Ltmp5:
0x9b: {  	s22 =	sand.u32 $0x10000, s14;
	(pc) =	sbr.rel @!p1 .LBB2_7-.Ltmp5, $4  }
0x9c: {  	s13 =	sadd.s32 $0x4000, s13;
	s15 =	sshrl.u32 s22, $0x2  }
0x9d: {  	s16 =	sadd.s32 $0x1480, s16;
	s14 =	sadd.s32 $0x10000, s14;
	s15 =	sor.u32 $0x2800, s15  }
0x9e: {  	[spmem:s3] =	stream.indirect.scatter.add.f32 [tilespmem:s15], [sflag:$0x2], $0x80, s16, s30, $0xb8;
	[tilespmem:$0x1E800] =	vst v63  }
0x9f: {  	_ = 	snop  }
.LBB2_5:
0xa0: {  	s12 =	simm.s32 $0x2780  }
0xa1: {  	[spmem:s3] =	stream.indirect.scatter.add.f32 [tilespmem:s31], [sflag:$0x2], $0x80, s12, s30, $0xb8;
	[tilespmem:$0x1E800] =	vst v63  }
.LBB2_7:
0xa2: {  	_ =	swait.ge [sflag:s9], $0x4000  }
0xa3: {  	[sflag:s9] =	ssyncset.done $0x0  }
0xa4: {  	s12 =	simm.s32 $0x0;
	s13 =	rddreg [dreg:$0xc];
	[sflag:s9] =	ssyncadd.s32 $0xFFFFC000  }
0xa5: {  	[tilespmem:s12], [sflag:$0x4] =	stream.linear.gather [hbm4b:s13+s12], $0x1400, $0x38;
	[tilespmem:$0x1E800] =	vst v63  }
0xa6: {  	_ =	swait.ge [sflag:s10], $0x1400  }
0xa7: {  	[sflag:s10] =	ssyncset.done $0x0  }
0xa8: {  	s16 =	rddreg [dreg:$0xd];
	[sflag:s10] =	ssyncadd.s32 $0xFFFFEC00  }
0xa9: {  	[tilespmem:s17], [sflag:$0x4] =	stream.linear.gather [hbm4b:s16+s12], $0x1400, $0x38;
	[tilespmem:$0x1E800] =	vst v63  }
0xaa: {  	_ =	swait.ge [sflag:s10], $0x1400  }
0xab: {  	[sflag:s10] =	ssyncset.done $0x0  }
0xac: {  	[sflag:s10] =	ssyncadd.s32 $0xFFFFEC00  }
0xad: {  	[tilespmem:s18], [sflag:$0x1] =	stream.indirect.gather [hbm4b:s0+s20], $0x80, s12, s20, $0xb8;
	[tilespmem:$0x1E800] =	vst v63  }
0xae: {  	s21 =	simm.s32 $0x3800  }
0xaf: {  	[tilespmem:s21], [sflag:$0x1] =	stream.indirect.gather [hbm4b:s0+s20], $0x80, s20, s20, $0xb8;
	[tilespmem:$0x1E800] =	vst v63  }
0xb0: {  	s22 =	simm.s32 $0x40  }
0xb1: {  	[tilespmem:s23], [sflag:$0x1] =	stream.indirect.gather [hbm4b:s0+s20], $0x80, s22, s20, $0xb8;
	[tilespmem:$0x1E800] =	vst v63  }
0xb2: {  	_ = 	snop  }
0xb3: {  	[tilespmem:s28], [sflag:$0x1] =	stream.indirect.gather [hbm4b:s0+s20], $0x80, s26, s20, $0xb8;
	[tilespmem:$0x1E800] =	vst v63  }
0xb4: {  	_ =	swait.ge [sflag:s29], $0x1000  }
0xb5: {  	[sflag:s29] =	ssyncset.done $0x0  }
0xb6: {  	[sflag:s29] =	ssyncadd.s32 $0xFFFFF000  }
0xb7: {  	_ =	swait.ge [sflag:s29], $0x1000  }
0xb8: {  	[sflag:s29] =	ssyncset.done $0x0  }
0xb9: {  	[sflag:s29] =	ssyncadd.s32 $0xFFFFF000  }
0xba: {  	_ =	swait.ge [sflag:s29], $0x1000  }
0xbb: {  	[sflag:s29] =	ssyncset.done $0x0  }
0xbc: {  	[sflag:s29] =	ssyncadd.s32 $0xFFFFF000  }
0xbd: {  	_ =	swait.ge [sflag:s29], $0x1000  }
0xbe: {  	[sflag:s29] =	ssyncset.done $0x0  }
0xbf: {  	[sflag:s29] =	ssyncadd.s32 $0xFFFFF000  }
0xc0: {  	[tilespmem:s31], [sflag:$0x1] =	stream.indirect.gather [hbm4b:s0+s20], $0x80, s30, s20, $0xb8;
	[tilespmem:$0x1E800] =	vst v63  }
0xc1: {  	_ = 	snop  }
0xc2: {  	[tilespmem:s1], [sflag:$0x1] =	stream.indirect.gather [hbm4b:s0+s20], $0x80, s2, s20, $0xb8;
	[tilespmem:$0x1E800] =	vst v63  }
0xc3: {  	_ = 	snop  }
0xc4: {  	[tilespmem:s5], [sflag:$0x1] =	stream.indirect.gather [hbm4b:s0+s20], $0x80, s4, s20, $0xb8;
	[tilespmem:$0x1E800] =	vst v63  }
0xc5: {  	_ = 	snop  }
0xc6: {  	[tilespmem:s8], [sflag:$0x1] =	stream.indirect.gather [hbm4b:s0+s20], $0x80, s6, s20, $0xb8;
	[tilespmem:$0x1E800] =	vst v63  }
0xc7: {  	s14 =	simm.s32 $0x10000;
	s13 =	simm.s32 $0x8000  }
0xc8: {  	[spmem:s3] =	stream.indirect.scatter.add.f32 [tilespmem:s18], [sflag:$0x2], $0x80, s17, s30, $0xb8;
	[tilespmem:$0x1E800] =	vst v63  }
.LBB2_8:
0xc9: {  	_ =	swait.ge [sflag:s29], $0x1000  }
0xca: {  	[sflag:s29] =	ssyncset.done $0x0  }
0xcb: {  	[sflag:s29] =	ssyncadd.s32 $0xFFFFF000  }
0xcc: {  	_ =	swait.ge [sflag:s29], $0x1000  }
0xcd: {  	[sflag:s29] =	ssyncset.done $0x0  }
0xce: {  	[sflag:s29] =	ssyncadd.s32 $0xFFFFF000  }
0xcf: {  	_ =	swait.ge [sflag:s29], $0x1000  }
0xd0: {  	[sflag:s29] =	ssyncset.done $0x0  }
0xd1: {  	[sflag:s29] =	ssyncadd.s32 $0xFFFFF000  }
0xd2: {  	p1 =	sne.s32 s12, $0x4C00;
	_ =	swait.ge [sflag:s29], $0x1000  }
.Ltmp6:
0xd3: {  	[sflag:s29] =	ssyncset.done $0x0;
	(pc) =	sbr.rel @!p1 .LBB2_9-.Ltmp6, $4  }
0xd4: {  	[sflag:s29] =	ssyncadd.s32 $0xFFFFF000  }
0xd5: {  	_ =	swait.ge [sflag:s9], $0x4000  }
0xd6: {  	[sflag:s9] =	ssyncset.done $0x0  }
0xd7: {  	[sflag:s9] =	ssyncadd.s32 $0xFFFFC000  }
0xd8: {  	s15 =	sand.u32 $0x4000, s13;
	s16 =	sshra.s32 s12, $0x2  }
0xd9: {  	s21 =	sor.u32 $0x2800, s15;
	s22 =	sadd.s32 $0x100, s16  }
0xda: {  	[tilespmem:s21], [sflag:$0x1] =	stream.indirect.gather [hbm4b:s0+s20], $0x80, s22, s20, $0xb8;
	[tilespmem:$0x1E800] =	vst v63  }
0xdb: {  	s21 =	sor.u32 $0x3800, s15;
	s22 =	sadd.s32 $0x120, s16  }
0xdc: {  	[tilespmem:s21], [sflag:$0x1] =	stream.indirect.gather [hbm4b:s0+s20], $0x80, s22, s20, $0xb8;
	[tilespmem:$0x1E800] =	vst v63  }
0xdd: {  	s12 =	sadd.s32 $0x200, s12;
	s21 =	sadd.s32 $0x4800, s15;
	s22 =	sadd.s32 $0x140, s16  }
0xde: {  	[tilespmem:s21], [sflag:$0x1] =	stream.indirect.gather [hbm4b:s0+s20], $0x80, s22, s20, $0xb8;
	[tilespmem:$0x1E800] =	vst v63  }
0xdf: {  	p1 =	sne.s32 s12, $0x4E00;
	s15 =	sadd.s32 $0x5800, s15;
	s22 =	sadd.s32 $0x160, s16  }
0xe0: {  	[tilespmem:s15], [sflag:$0x1] =	stream.indirect.gather [hbm4b:s0+s20], $0x80, s22, s20, $0xb8;
	[tilespmem:$0x1E800] =	vst v63  }
.Ltmp7:
0xe1: {  	_ = 	snop;
	(pc) =	sbr.rel @p1 .LBB2_8-.Ltmp7, $4  }
.Ltmp8:
0xe2: {  	s22 =	sand.u32 $0x10000, s14;
	(pc) =	sbr.rel @!p1 .LBB2_11-.Ltmp8, $4  }
0xe3: {  	s13 =	sadd.s32 $0x4000, s13;
	s15 =	sshrl.u32 s22, $0x2  }
0xe4: {  	s16 =	sadd.s32 $0x1480, s16;
	s14 =	sadd.s32 $0x10000, s14;
	s15 =	sor.u32 $0x2800, s15  }
0xe5: {  	[spmem:s3] =	stream.indirect.scatter.add.f32 [tilespmem:s15], [sflag:$0x2], $0x80, s16, s30, $0xb8;
	[tilespmem:$0x1E800] =	vst v63  }
0xe6: {  	_ = 	snop  }
.LBB2_12:
0xe7: {  	_ =	sfence.sel $0x180000  }
0xe8: {  	[bflag:$0x0] =	sbarrier.arrive $0xFFFF  }
0xe9: {  	_ =	strace $0x90000047  }
0xea: {  	s0 =	stileid.u32;
	[bflag:$0x2] =	sbarrier.arrive $0xFFFF  }
0xeb: {  	p0 =	sne.s32 s0, $0x0;
	s0 =	rddreg [dreg:$0x5]  }
0xec: {  	s0 =	sadd.s32 @!p0 $0x100000, s0  }
0xed: {  	[sflag:s0] =	ssyncadd.tile.s32 @!p0 $0x1;
	_ =	shalt  }
.Lfunc_end2:
_tile_overlayer_lowered:
.L_overlay_start_2:
0xee: {  	(tag) =	ssettag $0x2  }
0xef: {  	s0 =	rddreg [dreg:$0x0];
	s2 =	stileid.u32  }
0xf0: {  	s1 =	rddreg [dreg:$0x1];
	p0 =	sne.s32 s2, $0x0  }
0xf1: {  	s3 =	rddreg [dreg:$0x2];
	[bflag:$0x3] =	sbarrier.arrive $0xFFFF;
	s2 =	simm.s32 @!p0 $0x1C04  }
0xf2: {  	[timem:s3], [sflag:s2] =	dma.local @!p0 [hbm:s0], s1  }
0xf3: {  	s0 =	simm.s32 @!p0 $0x4  }
0xf4: {  	_ =	swait.ge @!p0 [sflag:s0], s1  }
0xf5: {  	s1 =	ssub.s32 @!p0 $0x0, s1;
	[sflag:s0] =	ssyncset.done @!p0 $0x0  }
0xf6: {  	[sflag:s0] =	ssyncadd.s32 @!p0 s1  }
0xf7: {  	[bflag:$0x3] =	sbarrier.arrive $0xFFFF  }
0xf8: {  	_ =	shalt  }

</sc_bundles>
